<compile_context>
chip_gen: v7x
topology: tpu7x:2x2x1
jax: 0.10.2.dev20260603
libtpu: 0.0.44.dev20260713+nightly
codegen_flags: <defaults>
</compile_context>

<pallas_src>
import functools

import jax
import jax.numpy as jnp
from jax import lax
from jax.experimental import pallas as pl
from jax.experimental.pallas import tpu as pltpu
from jax.experimental.pallas import tpu_sc as plsc

D = 128
N_ROWS = 100000
NC, NS = 2, 16
NW = NC * NS

CHUNK_ROWS = 200
NLANE = 8
NBUF = 2
SC_CHUNKS = 2
SC_ROWS = NW * CHUNK_ROWS * SC_CHUNKS
NSUPER = SC_CHUNKS // NBUF

TC_OFF = 0
TC_ROWS = N_ROWS - SC_ROWS
SC_BASE = TC_ROWS
TC_WAYS = 10
TC_BLOCK = 872
TC_GRID = TC_ROWS // (TC_BLOCK * TC_WAYS)


def _sc_partial_sums(nbr_flat):
    mesh = plsc.VectorSubcoreMesh(
        core_axis_name="c", subcore_axis_name="s", num_cores=NC, num_subcores=NS
    )

    @functools.partial(
        pl.kernel,
        out_type=jax.ShapeDtypeStruct((NW, D), jnp.float32),
        mesh=mesh,
        scratch_types=[pltpu.VMEM((CHUNK_ROWS, D), jnp.float32)] * NBUF
        + [pltpu.VMEM((D,), jnp.float32)]
        + [pltpu.SemaphoreType.DMA] * NBUF,
    )
    def k(nbr_hbm, part_hbm, *scratch):
        bufs = scratch[:NBUF]
        accv = scratch[NBUF]
        sems = scratch[NBUF + 1 :]
        cid = lax.axis_index("c")
        sid = lax.axis_index("s")
        wid = sid * NC + cid
        base = SC_BASE + wid * (SC_CHUNKS * CHUNK_ROWS)

        def start(chunk, b):
            pltpu.async_copy(
                nbr_hbm.at[0, pl.ds(base + chunk * CHUNK_ROWS, CHUNK_ROWS)],
                bufs[b],
                sems[b],
            )

        def wait(b):
            pltpu.make_async_copy(
                nbr_hbm.at[0, pl.ds(base, CHUNK_ROWS)], bufs[b], sems[b]
            ).wait()

        def accumulate(b, accs):
            def row_body(r, accs):
                return tuple(
                    a + bufs[b][r, pl.ds(k * 16, 16)] for k, a in enumerate(accs)
                )

            return lax.fori_loop(0, CHUNK_ROWS, row_body, accs, unroll=5)

        for b in range(NBUF):
            start(b, b)

        def superchunk(si, accs, fire):
            for b in range(NBUF):
                wait(b)
                accs = accumulate(b, accs)
                if fire:
                    start(si * NBUF + b + NBUF, b)
            return accs

        accs = tuple(jnp.zeros((16,), jnp.float32) for _ in range(NLANE))
        accs = lax.fori_loop(
            0, NSUPER - 1, lambda si, a: superchunk(si, a, True), accs
        )
        accs = superchunk(NSUPER - 1, accs, False)
        for k_i in range(NLANE):
            accv[pl.ds(k_i * 16, 16)] = accs[k_i]
        pltpu.sync_copy(accv, part_hbm.at[wid])

    return k(nbr_flat)


def _tc_reduce_body(*refs):
    nbr_refs = refs[:TC_WAYS]
    out_ref = refs[TC_WAYS]
    acc_ref = refs[TC_WAYS + 1]
    part = sum(
        jnp.sum(r[...].reshape(TC_BLOCK // 8, 8, D), axis=0)
        for r in nbr_refs
    )

    @pl.when(pl.program_id(0) == 0)
    def _init():
        acc_ref[...] = part

    @pl.when(pl.program_id(0) != 0)
    def _acc():
        acc_ref[...] += part

    @pl.when(pl.program_id(0) == TC_GRID - 1)
    def _fin():
        out_ref[...] = jnp.sum(acc_ref[...], axis=0, keepdims=True)


def _tc_reduce(nbr_full):
    blk_off = TC_OFF // TC_BLOCK
    specs = [
        pl.BlockSpec(
            (1, TC_BLOCK, D),
            functools.partial(lambda j, i: (0, i + blk_off + j * TC_GRID, 0), j),
        )
        for j in range(TC_WAYS)
    ]
    return pl.pallas_call(
        _tc_reduce_body,
        grid=(TC_GRID,),
        in_specs=specs,
        out_specs=pl.BlockSpec((1, D), lambda i: (0, 0)),
        out_shape=jax.ShapeDtypeStruct((1, D), jnp.float32),
        scratch_shapes=[pltpu.VMEM((8, D), jnp.float32)],
    )(*([nbr_full] * TC_WAYS))


def _row_times_wt(x, w):
    return lax.dot_general(
        x, w, (((1,), (1,)), ((), ())), preferred_element_type=jnp.float32
    )


def _tc_finish_body(
    part_sc_ref, part_tc_ref, node_ref, w0_ref, b0_ref, w1_ref, b1_ref, out_ref
):
    total = jnp.sum(part_sc_ref[...], axis=0, keepdims=True) + part_tc_ref[...]
    mean = total * (1.0 / N_ROWS)
    node = node_ref[...]
    h = (
        _row_times_wt(node, w0_ref[:, :D])
        + _row_times_wt(mean, w0_ref[:, D:])
        + b0_ref[...]
    )
    h = jnp.maximum(h, 0.0)
    out = _row_times_wt(h, w1_ref[...]) + b1_ref[...]
    out_ref[...] = jnp.maximum(out, 0.0)


def _tc_finish(part_sc, part_tc, node2, w0, b02, w1, b12):
    return pl.pallas_call(
        _tc_finish_body,
        out_shape=jax.ShapeDtypeStruct((1, D), jnp.float32),
    )(part_sc, part_tc, node2, w0, b02, w1, b12)


def kernel(node_features, neighbor_features_list, W0, b0, W1, b1):
    part_sc = _sc_partial_sums(neighbor_features_list)
    part_tc = _tc_reduce(neighbor_features_list)
    out = _tc_finish(
        part_sc,
        part_tc,
        node_features.reshape(1, D),
        W0,
        b0.reshape(1, -1),
        W1,
        b1.reshape(1, -1),
    )
    return out.reshape(D)

# --- scband reference (transcript-rebuilt; emitter-appended) ---
"""Pipeline reference for scband-graph-sagemodel-62775241999123 (READ-ONLY COPY).

The authoritative reference and input builder live on the scoring server;
editing this copy changes nothing except your own understanding.
"""

import jax, jax.numpy as jnp
import numpy as np

INPUT_DIM = 128
HIDDEN_DIM = 256
OUTPUT_DIM = 128
N_NEIGHBORS = 100000


def setup_inputs(seed: int = 0) -> dict:
    key = jax.random.key(seed)
    k1, k2, k3, k4, k5, k6 = jax.random.split(key, 6)
    node_features = jax.random.normal(k1, (INPUT_DIM,), dtype=jnp.float32)
    neighbor_features_list = jax.random.normal(k2, (1, N_NEIGHBORS, INPUT_DIM), dtype=jnp.float32)
    # Layer 0 (mean aggregator, has neighbors): Linear(in_dim*2 -> hidden_dim)
    s0 = 1.0 / np.sqrt(2 * INPUT_DIM)
    W0 = jax.random.uniform(k3, (HIDDEN_DIM, 2 * INPUT_DIM), minval=-s0, maxval=s0, dtype=jnp.float32)
    b0 = jax.random.uniform(k4, (HIDDEN_DIM,), minval=-s0, maxval=s0, dtype=jnp.float32)
    # Layer 1 (no neighbors): Linear(hidden_dim -> output_dim) via linear_without_neighbors
    s1 = 1.0 / np.sqrt(HIDDEN_DIM)
    W1 = jax.random.uniform(k5, (OUTPUT_DIM, HIDDEN_DIM), minval=-s1, maxval=s1, dtype=jnp.float32)
    b1 = jax.random.uniform(k6, (OUTPUT_DIM,), minval=-s1, maxval=s1, dtype=jnp.float32)
    return {
        "node_features": node_features,
        "neighbor_features_list": neighbor_features_list,
        "W0": W0,
        "b0": b0,
        "W1": W1,
        "b1": b1,
    }


def reference(node_features, neighbor_features_list, W0, b0, W1, b1):
    # Layer 0: mean aggregator with neighbors (neighbor_features_list[0])
    neighbors = neighbor_features_list[0]            # [N_NEIGHBORS, in_dim]
    neighbor_mean = jnp.mean(neighbors, axis=0)       # [in_dim]  (memory-bound reduce)
    combined = jnp.concatenate([node_features, neighbor_mean], axis=0)  # [2*in_dim]
    h = jnp.dot(W0, combined) + b0                    # [hidden_dim]
    h = jax.nn.relu(h)
    # Layer 1: no neighbors -> linear_without_neighbors
    h = jnp.dot(W1, h) + b1                           # [output_dim]
    h = jax.nn.relu(h)
    return h

if __name__ == "__main__":
    import jax
    _d = setup_inputs()
    print(jax.jit(kernel)(*tuple(_d.values())))

</pallas_src>

<mosaic_0001>
#map = affine_map<(d0, d1) -> (0, 0, 0)>
#map1 = affine_map<(d0, d1) -> (0, 0)>
module attributes {stable_mosaic.version = 14 : i64} {
  func.func @k(%arg0: i32, %arg1: i32, %arg2: memref<1x100000x128xf32, #tpu.memory_space<hbm>>, %arg3: memref<32x128xf32, #tpu.memory_space<hbm>>, %arg4: memref<200x128xf32, #tpu.memory_space<vmem>>, %arg5: memref<200x128xf32, #tpu.memory_space<vmem>>, %arg6: memref<128xf32, #tpu.memory_space<vmem>>, %arg7: memref<!tpu.dma_semaphore, #tpu.memory_space<semaphore_mem>>, %arg8: memref<!tpu.dma_semaphore, #tpu.memory_space<semaphore_mem>>) attributes {dimension_semantics = [#tpu.dimension_semantics<core_parallel>, #tpu.dimension_semantics<subcore_parallel>], iteration_bounds = array<i64: 2, 16>, scalar_prefetch = 0 : i64, scratch_operands = 5 : i64, tpu.core_type = #tpu.core_type<sc_vector_subcore>, window_params = [{transform_indices = #map}, {transform_indices = #map1}]} {
    %mul3A = arith.constant 2 : i32
    %mul3A_0 = arith.muli %arg1, %mul3A : i32
    %add3A = arith.addi %mul3A_0, %arg0 : i32
    %mul3A_1 = arith.constant 400 : i32
    %mul3A_2 = arith.muli %add3A, %mul3A_1 : i32
    %add3A_3 = arith.constant 87200 : i32
    %add3A_4 = arith.addi %add3A_3, %mul3A_2 : i32
    %add3A_5 = arith.constant 0 : i32
    %add3A_6 = arith.addi %add3A_4, %add3A_5 : i32
    %dma_start3A = arith.constant 0 : i32
    %dma_start3A_7 = arith.constant 0 : i32
    %dma_start3A_8 = tpu.memref_slice %arg2[%dma_start3A, %add3A_6, %dma_start3A_7] : memref<1x100000x128xf32, #tpu.memory_space<hbm>> -> memref<1x200x128xf32, #tpu.memory_space<hbm>>
    %dma_start3A_9 = tpu.memref_squeeze %dma_start3A_8 : memref<1x200x128xf32, #tpu.memory_space<hbm>> -> memref<200x128xf32, #tpu.memory_space<hbm>>
    %dma_start3A_10 = arith.constant 0 : i32
    %dma_start3A_11 = tpu.memref_slice %arg2[%dma_start3A, %add3A_6, %dma_start3A_10] : memref<1x100000x128xf32, #tpu.memory_space<hbm>> -> memref<1x200x128xf32, #tpu.memory_space<hbm>>
    %dma_start3A_12 = tpu.memref_squeeze %dma_start3A_11 : memref<1x200x128xf32, #tpu.memory_space<hbm>> -> memref<200x128xf32, #tpu.memory_space<hbm>>
    tpu.enqueue_dma source(%dma_start3A_12 : memref<200x128xf32, #tpu.memory_space<hbm>>) target(%arg4 : memref<200x128xf32, #tpu.memory_space<vmem>>) target_semaphore(%arg7 : memref<!tpu.dma_semaphore, #tpu.memory_space<semaphore_mem>>)
    %add3A_13 = arith.constant 200 : i32
    %add3A_14 = arith.addi %add3A_4, %add3A_13 : i32
    %dma_start3A_15 = arith.constant 0 : i32
    %dma_start3A_16 = arith.constant 0 : i32
    %dma_start3A_17 = tpu.memref_slice %arg2[%dma_start3A_15, %add3A_14, %dma_start3A_16] : memref<1x100000x128xf32, #tpu.memory_space<hbm>> -> memref<1x200x128xf32, #tpu.memory_space<hbm>>
    %dma_start3A_18 = tpu.memref_squeeze %dma_start3A_17 : memref<1x200x128xf32, #tpu.memory_space<hbm>> -> memref<200x128xf32, #tpu.memory_space<hbm>>
    %dma_start3A_19 = arith.constant 0 : i32
    %dma_start3A_20 = tpu.memref_slice %arg2[%dma_start3A_15, %add3A_14, %dma_start3A_19] : memref<1x100000x128xf32, #tpu.memory_space<hbm>> -> memref<1x200x128xf32, #tpu.memory_space<hbm>>
    %dma_start3A_21 = tpu.memref_squeeze %dma_start3A_20 : memref<1x200x128xf32, #tpu.memory_space<hbm>> -> memref<200x128xf32, #tpu.memory_space<hbm>>
    tpu.enqueue_dma source(%dma_start3A_21 : memref<200x128xf32, #tpu.memory_space<hbm>>) target(%arg5 : memref<200x128xf32, #tpu.memory_space<vmem>>) target_semaphore(%arg8 : memref<!tpu.dma_semaphore, #tpu.memory_space<semaphore_mem>>)
    %broadcast_in_dim3A = arith.constant 0.000000e+00 : f32
    %broadcast_in_dim3A_22 = vector.broadcast %broadcast_in_dim3A : f32 to vector<16xf32>
    %broadcast_in_dim3A_23 = arith.constant 0.000000e+00 : f32
    %broadcast_in_dim3A_24 = vector.broadcast %broadcast_in_dim3A_23 : f32 to vector<16xf32>
    %broadcast_in_dim3A_25 = arith.constant 0.000000e+00 : f32
    %broadcast_in_dim3A_26 = vector.broadcast %broadcast_in_dim3A_25 : f32 to vector<16xf32>
    %broadcast_in_dim3A_27 = arith.constant 0.000000e+00 : f32
    %broadcast_in_dim3A_28 = vector.broadcast %broadcast_in_dim3A_27 : f32 to vector<16xf32>
    %broadcast_in_dim3A_29 = arith.constant 0.000000e+00 : f32
    %broadcast_in_dim3A_30 = vector.broadcast %broadcast_in_dim3A_29 : f32 to vector<16xf32>
    %broadcast_in_dim3A_31 = arith.constant 0.000000e+00 : f32
    %broadcast_in_dim3A_32 = vector.broadcast %broadcast_in_dim3A_31 : f32 to vector<16xf32>
    %broadcast_in_dim3A_33 = arith.constant 0.000000e+00 : f32
    %broadcast_in_dim3A_34 = vector.broadcast %broadcast_in_dim3A_33 : f32 to vector<16xf32>
    %broadcast_in_dim3A_35 = arith.constant 0.000000e+00 : f32
    %broadcast_in_dim3A_36 = vector.broadcast %broadcast_in_dim3A_35 : f32 to vector<16xf32>
    %scan3A = arith.constant 0 : i32
    %scan3A_37 = arith.constant 0 : i32
    %scan3A_38 = arith.addi %scan3A, %scan3A_37 : i32
    %scan3A_39 = arith.constant 0 : i32
    %dma_wait3A = arith.constant 0 : i32
    %dma_wait3A_40 = arith.constant 0 : i32
    %dma_wait3A_41 = tpu.memref_slice %arg2[%dma_wait3A, %add3A_4, %dma_wait3A_40] : memref<1x100000x128xf32, #tpu.memory_space<hbm>> -> memref<1x200x128xf32, #tpu.memory_space<hbm>>
    %dma_wait3A_42 = tpu.memref_squeeze %dma_wait3A_41 : memref<1x200x128xf32, #tpu.memory_space<hbm>> -> memref<200x128xf32, #tpu.memory_space<hbm>>
    %dma_wait3A_43 = arith.constant 0 : i32
    %dma_wait3A_44 = tpu.memref_slice %arg2[%dma_wait3A, %add3A_4, %dma_wait3A_43] : memref<1x100000x128xf32, #tpu.memory_space<hbm>> -> memref<1x200x128xf32, #tpu.memory_space<hbm>>
    %dma_wait3A_45 = tpu.memref_squeeze %dma_wait3A_44 : memref<1x200x128xf32, #tpu.memory_space<hbm>> -> memref<200x128xf32, #tpu.memory_space<hbm>>
    tpu.wait_dma2 semaphore(%arg7 : memref<!tpu.dma_semaphore, #tpu.memory_space<semaphore_mem>>) src(%dma_wait3A_45 : memref<200x128xf32, #tpu.memory_space<hbm>>) dst(%arg4 : memref<200x128xf32, #tpu.memory_space<vmem>>)
    %scan3A_46 = arith.constant 0 : i32
    %scan3A_47 = arith.constant 200 : i32
    %scan3A_48 = arith.addi %scan3A_46, %scan3A_47 : i32
    %scan3A_49 = arith.constant 5 : i32
    %scan3A_50:8 = scf.for %scan3A_96 = %scan3A_46 to %scan3A_48 step %scan3A_49 iter_args(%scan3A_97 = %broadcast_in_dim3A_22, %scan3A_98 = %broadcast_in_dim3A_24, %scan3A_99 = %broadcast_in_dim3A_26, %scan3A_100 = %broadcast_in_dim3A_28, %scan3A_101 = %broadcast_in_dim3A_30, %scan3A_102 = %broadcast_in_dim3A_32, %scan3A_103 = %broadcast_in_dim3A_34, %scan3A_104 = %broadcast_in_dim3A_36) -> (vector<16xf32>, vector<16xf32>, vector<16xf32>, vector<16xf32>, vector<16xf32>, vector<16xf32>, vector<16xf32>, vector<16xf32>)  : i32 {
      %get3A = arith.index_cast %scan3A_96 : i32 to index
      %get3A_105 = arith.constant 0 : index
      %get3A_106 = tpu.vector_load %arg4[%get3A, %get3A_105] {strides = array<i32>} : memref<200x128xf32, #tpu.memory_space<vmem>>, vector<1x16xf32>,
      %get3A_107 = vector.shape_cast %get3A_106 : vector<1x16xf32> to vector<16xf32>
      %add3A_108 = arith.addf %scan3A_97, %get3A_107 : vector<16xf32>
      %get3A_109 = arith.index_cast %scan3A_96 : i32 to index
      %get3A_110 = arith.constant 16 : index
      %get3A_111 = tpu.vector_load %arg4[%get3A_109, %get3A_110] {strides = array<i32>} : memref<200x128xf32, #tpu.memory_space<vmem>>, vector<1x16xf32>,
      %get3A_112 = vector.shape_cast %get3A_111 : vector<1x16xf32> to vector<16xf32>
      %add3A_113 = arith.addf %scan3A_98, %get3A_112 : vector<16xf32>
      %get3A_114 = arith.index_cast %scan3A_96 : i32 to index
      %get3A_115 = arith.constant 32 : index
      %get3A_116 = tpu.vector_load %arg4[%get3A_114, %get3A_115] {strides = array<i32>} : memref<200x128xf32, #tpu.memory_space<vmem>>, vector<1x16xf32>,
      %get3A_117 = vector.shape_cast %get3A_116 : vector<1x16xf32> to vector<16xf32>
      %add3A_118 = arith.addf %scan3A_99, %get3A_117 : vector<16xf32>
      %get3A_119 = arith.index_cast %scan3A_96 : i32 to index
      %get3A_120 = arith.constant 48 : index
      %get3A_121 = tpu.vector_load %arg4[%get3A_119, %get3A_120] {strides = array<i32>} : memref<200x128xf32, #tpu.memory_space<vmem>>, vector<1x16xf32>,
      %get3A_122 = vector.shape_cast %get3A_121 : vector<1x16xf32> to vector<16xf32>
      %add3A_123 = arith.addf %scan3A_100, %get3A_122 : vector<16xf32>
      %get3A_124 = arith.index_cast %scan3A_96 : i32 to index
      %get3A_125 = arith.constant 64 : index
      %get3A_126 = tpu.vector_load %arg4[%get3A_124, %get3A_125] {strides = array<i32>} : memref<200x128xf32, #tpu.memory_space<vmem>>, vector<1x16xf32>,
      %get3A_127 = vector.shape_cast %get3A_126 : vector<1x16xf32> to vector<16xf32>
      %add3A_128 = arith.addf %scan3A_101, %get3A_127 : vector<16xf32>
      %get3A_129 = arith.index_cast %scan3A_96 : i32 to index
      %get3A_130 = arith.constant 80 : index
      %get3A_131 = tpu.vector_load %arg4[%get3A_129, %get3A_130] {strides = array<i32>} : memref<200x128xf32, #tpu.memory_space<vmem>>, vector<1x16xf32>,
      %get3A_132 = vector.shape_cast %get3A_131 : vector<1x16xf32> to vector<16xf32>
      %add3A_133 = arith.addf %scan3A_102, %get3A_132 : vector<16xf32>
      %get3A_134 = arith.index_cast %scan3A_96 : i32 to index
      %get3A_135 = arith.constant 96 : index
      %get3A_136 = tpu.vector_load %arg4[%get3A_134, %get3A_135] {strides = array<i32>} : memref<200x128xf32, #tpu.memory_space<vmem>>, vector<1x16xf32>,
      %get3A_137 = vector.shape_cast %get3A_136 : vector<1x16xf32> to vector<16xf32>
      %add3A_138 = arith.addf %scan3A_103, %get3A_137 : vector<16xf32>
      %get3A_139 = arith.index_cast %scan3A_96 : i32 to index
      %get3A_140 = arith.constant 112 : index
      %get3A_141 = tpu.vector_load %arg4[%get3A_139, %get3A_140] {strides = array<i32>} : memref<200x128xf32, #tpu.memory_space<vmem>>, vector<1x16xf32>,
      %get3A_142 = vector.shape_cast %get3A_141 : vector<1x16xf32> to vector<16xf32>
      %add3A_143 = arith.addf %scan3A_104, %get3A_142 : vector<16xf32>
      %scan3A_144 = arith.constant 1 : i32
      %scan3A_145 = arith.addi %scan3A_96, %scan3A_144 : i32
      %get3A_146 = arith.index_cast %scan3A_145 : i32 to index
      %get3A_147 = arith.constant 0 : index
      %get3A_148 = tpu.vector_load %arg4[%get3A_146, %get3A_147] {strides = array<i32>} : memref<200x128xf32, #tpu.memory_space<vmem>>, vector<1x16xf32>,
      %get3A_149 = vector.shape_cast %get3A_148 : vector<1x16xf32> to vector<16xf32>
      %add3A_150 = arith.addf %add3A_108, %get3A_149 : vector<16xf32>
      %get3A_151 = arith.index_cast %scan3A_145 : i32 to index
      %get3A_152 = arith.constant 16 : index
      %get3A_153 = tpu.vector_load %arg4[%get3A_151, %get3A_152] {strides = array<i32>} : memref<200x128xf32, #tpu.memory_space<vmem>>, vector<1x16xf32>,
      %get3A_154 = vector.shape_cast %get3A_153 : vector<1x16xf32> to vector<16xf32>
      %add3A_155 = arith.addf %add3A_113, %get3A_154 : vector<16xf32>
      %get3A_156 = arith.index_cast %scan3A_145 : i32 to index
      %get3A_157 = arith.constant 32 : index
      %get3A_158 = tpu.vector_load %arg4[%get3A_156, %get3A_157] {strides = array<i32>} : memref<200x128xf32, #tpu.memory_space<vmem>>, vector<1x16xf32>,
      %get3A_159 = vector.shape_cast %get3A_158 : vector<1x16xf32> to vector<16xf32>
      %add3A_160 = arith.addf %add3A_118, %get3A_159 : vector<16xf32>
      %get3A_161 = arith.index_cast %scan3A_145 : i32 to index
      %get3A_162 = arith.constant 48 : index
      %get3A_163 = tpu.vector_load %arg4[%get3A_161, %get3A_162] {strides = array<i32>} : memref<200x128xf32, #tpu.memory_space<vmem>>, vector<1x16xf32>,
      %get3A_164 = vector.shape_cast %get3A_163 : vector<1x16xf32> to vector<16xf32>
      %add3A_165 = arith.addf %add3A_123, %get3A_164 : vector<16xf32>
      %get3A_166 = arith.index_cast %scan3A_145 : i32 to index
      %get3A_167 = arith.constant 64 : index
      %get3A_168 = tpu.vector_load %arg4[%get3A_166, %get3A_167] {strides = array<i32>} : memref<200x128xf32, #tpu.memory_space<vmem>>, vector<1x16xf32>,
      %get3A_169 = vector.shape_cast %get3A_168 : vector<1x16xf32> to vector<16xf32>
      %add3A_170 = arith.addf %add3A_128, %get3A_169 : vector<16xf32>
      %get3A_171 = arith.index_cast %scan3A_145 : i32 to index
      %get3A_172 = arith.constant 80 : index
      %get3A_173 = tpu.vector_load %arg4[%get3A_171, %get3A_172] {strides = array<i32>} : memref<200x128xf32, #tpu.memory_space<vmem>>, vector<1x16xf32>,
      %get3A_174 = vector.shape_cast %get3A_173 : vector<1x16xf32> to vector<16xf32>
      %add3A_175 = arith.addf %add3A_133, %get3A_174 : vector<16xf32>
      %get3A_176 = arith.index_cast %scan3A_145 : i32 to index
      %get3A_177 = arith.constant 96 : index
      %get3A_178 = tpu.vector_load %arg4[%get3A_176, %get3A_177] {strides = array<i32>} : memref<200x128xf32, #tpu.memory_space<vmem>>, vector<1x16xf32>,
      %get3A_179 = vector.shape_cast %get3A_178 : vector<1x16xf32> to vector<16xf32>
      %add3A_180 = arith.addf %add3A_138, %get3A_179 : vector<16xf32>
      %get3A_181 = arith.index_cast %scan3A_145 : i32 to index
      %get3A_182 = arith.constant 112 : index
      %get3A_183 = tpu.vector_load %arg4[%get3A_181, %get3A_182] {strides = array<i32>} : memref<200x128xf32, #tpu.memory_space<vmem>>, vector<1x16xf32>,
      %get3A_184 = vector.shape_cast %get3A_183 : vector<1x16xf32> to vector<16xf32>
      %add3A_185 = arith.addf %add3A_143, %get3A_184 : vector<16xf32>
      %scan3A_186 = arith.constant 2 : i32
      %scan3A_187 = arith.addi %scan3A_96, %scan3A_186 : i32
      %get3A_188 = arith.index_cast %scan3A_187 : i32 to index
      %get3A_189 = arith.constant 0 : index
      %get3A_190 = tpu.vector_load %arg4[%get3A_188, %get3A_189] {strides = array<i32>} : memref<200x128xf32, #tpu.memory_space<vmem>>, vector<1x16xf32>,
      %get3A_191 = vector.shape_cast %get3A_190 : vector<1x16xf32> to vector<16xf32>
      %add3A_192 = arith.addf %add3A_150, %get3A_191 : vector<16xf32>
      %get3A_193 = arith.index_cast %scan3A_187 : i32 to index
      %get3A_194 = arith.constant 16 : index
      %get3A_195 = tpu.vector_load %arg4[%get3A_193, %get3A_194] {strides = array<i32>} : memref<200x128xf32, #tpu.memory_space<vmem>>, vector<1x16xf32>,
      %get3A_196 = vector.shape_cast %get3A_195 : vector<1x16xf32> to vector<16xf32>
      %add3A_197 = arith.addf %add3A_155, %get3A_196 : vector<16xf32>
      %get3A_198 = arith.index_cast %scan3A_187 : i32 to index
      %get3A_199 = arith.constant 32 : index
      %get3A_200 = tpu.vector_load %arg4[%get3A_198, %get3A_199] {strides = array<i32>} : memref<200x128xf32, #tpu.memory_space<vmem>>, vector<1x16xf32>,
      %get3A_201 = vector.shape_cast %get3A_200 : vector<1x16xf32> to vector<16xf32>
      %add3A_202 = arith.addf %add3A_160, %get3A_201 : vector<16xf32>
      %get3A_203 = arith.index_cast %scan3A_187 : i32 to index
      %get3A_204 = arith.constant 48 : index
      %get3A_205 = tpu.vector_load %arg4[%get3A_203, %get3A_204] {strides = array<i32>} : memref<200x128xf32, #tpu.memory_space<vmem>>, vector<1x16xf32>,
      %get3A_206 = vector.shape_cast %get3A_205 : vector<1x16xf32> to vector<16xf32>
      %add3A_207 = arith.addf %add3A_165, %get3A_206 : vector<16xf32>
      %get3A_208 = arith.index_cast %scan3A_187 : i32 to index
      %get3A_209 = arith.constant 64 : index
      %get3A_210 = tpu.vector_load %arg4[%get3A_208, %get3A_209] {strides = array<i32>} : memref<200x128xf32, #tpu.memory_space<vmem>>, vector<1x16xf32>,
      %get3A_211 = vector.shape_cast %get3A_210 : vector<1x16xf32> to vector<16xf32>
      %add3A_212 = arith.addf %add3A_170, %get3A_211 : vector<16xf32>
      %get3A_213 = arith.index_cast %scan3A_187 : i32 to index
      %get3A_214 = arith.constant 80 : index
      %get3A_215 = tpu.vector_load %arg4[%get3A_213, %get3A_214] {strides = array<i32>} : memref<200x128xf32, #tpu.memory_space<vmem>>, vector<1x16xf32>,
      %get3A_216 = vector.shape_cast %get3A_215 : vector<1x16xf32> to vector<16xf32>
      %add3A_217 = arith.addf %add3A_175, %get3A_216 : vector<16xf32>
      %get3A_218 = arith.index_cast %scan3A_187 : i32 to index
      %get3A_219 = arith.constant 96 : index
      %get3A_220 = tpu.vector_load %arg4[%get3A_218, %get3A_219] {strides = array<i32>} : memref<200x128xf32, #tpu.memory_space<vmem>>, vector<1x16xf32>,
      %get3A_221 = vector.shape_cast %get3A_220 : vector<1x16xf32> to vector<16xf32>
      %add3A_222 = arith.addf %add3A_180, %get3A_221 : vector<16xf32>
      %get3A_223 = arith.index_cast %scan3A_187 : i32 to index
      %get3A_224 = arith.constant 112 : index
      %get3A_225 = tpu.vector_load %arg4[%get3A_223, %get3A_224] {strides = array<i32>} : memref<200x128xf32, #tpu.memory_space<vmem>>, vector<1x16xf32>,
      %get3A_226 = vector.shape_cast %get3A_225 : vector<1x16xf32> to vector<16xf32>
      %add3A_227 = arith.addf %add3A_185, %get3A_226 : vector<16xf32>
      %scan3A_228 = arith.constant 3 : i32
      %scan3A_229 = arith.addi %scan3A_96, %scan3A_228 : i32
      %get3A_230 = arith.index_cast %scan3A_229 : i32 to index
      %get3A_231 = arith.constant 0 : index
      %get3A_232 = tpu.vector_load %arg4[%get3A_230, %get3A_231] {strides = array<i32>} : memref<200x128xf32, #tpu.memory_space<vmem>>, vector<1x16xf32>,
      %get3A_233 = vector.shape_cast %get3A_232 : vector<1x16xf32> to vector<16xf32>
      %add3A_234 = arith.addf %add3A_192, %get3A_233 : vector<16xf32>
      %get3A_235 = arith.index_cast %scan3A_229 : i32 to index
      %get3A_236 = arith.constant 16 : index
      %get3A_237 = tpu.vector_load %arg4[%get3A_235, %get3A_236] {strides = array<i32>} : memref<200x128xf32, #tpu.memory_space<vmem>>, vector<1x16xf32>,
      %get3A_238 = vector.shape_cast %get3A_237 : vector<1x16xf32> to vector<16xf32>
      %add3A_239 = arith.addf %add3A_197, %get3A_238 : vector<16xf32>
      %get3A_240 = arith.index_cast %scan3A_229 : i32 to index
      %get3A_241 = arith.constant 32 : index
      %get3A_242 = tpu.vector_load %arg4[%get3A_240, %get3A_241] {strides = array<i32>} : memref<200x128xf32, #tpu.memory_space<vmem>>, vector<1x16xf32>,
      %get3A_243 = vector.shape_cast %get3A_242 : vector<1x16xf32> to vector<16xf32>
      %add3A_244 = arith.addf %add3A_202, %get3A_243 : vector<16xf32>
      %get3A_245 = arith.index_cast %scan3A_229 : i32 to index
      %get3A_246 = arith.constant 48 : index
      %get3A_247 = tpu.vector_load %arg4[%get3A_245, %get3A_246] {strides = array<i32>} : memref<200x128xf32, #tpu.memory_space<vmem>>, vector<1x16xf32>,
      %get3A_248 = vector.shape_cast %get3A_247 : vector<1x16xf32> to vector<16xf32>
      %add3A_249 = arith.addf %add3A_207, %get3A_248 : vector<16xf32>
      %get3A_250 = arith.index_cast %scan3A_229 : i32 to index
      %get3A_251 = arith.constant 64 : index
      %get3A_252 = tpu.vector_load %arg4[%get3A_250, %get3A_251] {strides = array<i32>} : memref<200x128xf32, #tpu.memory_space<vmem>>, vector<1x16xf32>,
      %get3A_253 = vector.shape_cast %get3A_252 : vector<1x16xf32> to vector<16xf32>
      %add3A_254 = arith.addf %add3A_212, %get3A_253 : vector<16xf32>
      %get3A_255 = arith.index_cast %scan3A_229 : i32 to index
      %get3A_256 = arith.constant 80 : index
      %get3A_257 = tpu.vector_load %arg4[%get3A_255, %get3A_256] {strides = array<i32>} : memref<200x128xf32, #tpu.memory_space<vmem>>, vector<1x16xf32>,
      %get3A_258 = vector.shape_cast %get3A_257 : vector<1x16xf32> to vector<16xf32>
      %add3A_259 = arith.addf %add3A_217, %get3A_258 : vector<16xf32>
      %get3A_260 = arith.index_cast %scan3A_229 : i32 to index
      %get3A_261 = arith.constant 96 : index
      %get3A_262 = tpu.vector_load %arg4[%get3A_260, %get3A_261] {strides = array<i32>} : memref<200x128xf32, #tpu.memory_space<vmem>>, vector<1x16xf32>,
      %get3A_263 = vector.shape_cast %get3A_262 : vector<1x16xf32> to vector<16xf32>
      %add3A_264 = arith.addf %add3A_222, %get3A_263 : vector<16xf32>
      %get3A_265 = arith.index_cast %scan3A_229 : i32 to index
      %get3A_266 = arith.constant 112 : index
      %get3A_267 = tpu.vector_load %arg4[%get3A_265, %get3A_266] {strides = array<i32>} : memref<200x128xf32, #tpu.memory_space<vmem>>, vector<1x16xf32>,
      %get3A_268 = vector.shape_cast %get3A_267 : vector<1x16xf32> to vector<16xf32>
      %add3A_269 = arith.addf %add3A_227, %get3A_268 : vector<16xf32>
      %scan3A_270 = arith.constant 4 : i32
      %scan3A_271 = arith.addi %scan3A_96, %scan3A_270 : i32
      %get3A_272 = arith.index_cast %scan3A_271 : i32 to index
      %get3A_273 = arith.constant 0 : index
      %get3A_274 = tpu.vector_load %arg4[%get3A_272, %get3A_273] {strides = array<i32>} : memref<200x128xf32, #tpu.memory_space<vmem>>, vector<1x16xf32>,
      %get3A_275 = vector.shape_cast %get3A_274 : vector<1x16xf32> to vector<16xf32>
      %add3A_276 = arith.addf %add3A_234, %get3A_275 : vector<16xf32>
      %get3A_277 = arith.index_cast %scan3A_271 : i32 to index
      %get3A_278 = arith.constant 16 : index
      %get3A_279 = tpu.vector_load %arg4[%get3A_277, %get3A_278] {strides = array<i32>} : memref<200x128xf32, #tpu.memory_space<vmem>>, vector<1x16xf32>,
      %get3A_280 = vector.shape_cast %get3A_279 : vector<1x16xf32> to vector<16xf32>
      %add3A_281 = arith.addf %add3A_239, %get3A_280 : vector<16xf32>
      %get3A_282 = arith.index_cast %scan3A_271 : i32 to index
      %get3A_283 = arith.constant 32 : index
      %get3A_284 = tpu.vector_load %arg4[%get3A_282, %get3A_283] {strides = array<i32>} : memref<200x128xf32, #tpu.memory_space<vmem>>, vector<1x16xf32>,
      %get3A_285 = vector.shape_cast %get3A_284 : vector<1x16xf32> to vector<16xf32>
      %add3A_286 = arith.addf %add3A_244, %get3A_285 : vector<16xf32>
      %get3A_287 = arith.index_cast %scan3A_271 : i32 to index
      %get3A_288 = arith.constant 48 : index
      %get3A_289 = tpu.vector_load %arg4[%get3A_287, %get3A_288] {strides = array<i32>} : memref<200x128xf32, #tpu.memory_space<vmem>>, vector<1x16xf32>,
      %get3A_290 = vector.shape_cast %get3A_289 : vector<1x16xf32> to vector<16xf32>
      %add3A_291 = arith.addf %add3A_249, %get3A_290 : vector<16xf32>
      %get3A_292 = arith.index_cast %scan3A_271 : i32 to index
      %get3A_293 = arith.constant 64 : index
      %get3A_294 = tpu.vector_load %arg4[%get3A_292, %get3A_293] {strides = array<i32>} : memref<200x128xf32, #tpu.memory_space<vmem>>, vector<1x16xf32>,
      %get3A_295 = vector.shape_cast %get3A_294 : vector<1x16xf32> to vector<16xf32>
      %add3A_296 = arith.addf %add3A_254, %get3A_295 : vector<16xf32>
      %get3A_297 = arith.index_cast %scan3A_271 : i32 to index
      %get3A_298 = arith.constant 80 : index
      %get3A_299 = tpu.vector_load %arg4[%get3A_297, %get3A_298] {strides = array<i32>} : memref<200x128xf32, #tpu.memory_space<vmem>>, vector<1x16xf32>,
      %get3A_300 = vector.shape_cast %get3A_299 : vector<1x16xf32> to vector<16xf32>
      %add3A_301 = arith.addf %add3A_259, %get3A_300 : vector<16xf32>
      %get3A_302 = arith.index_cast %scan3A_271 : i32 to index
      %get3A_303 = arith.constant 96 : index
      %get3A_304 = tpu.vector_load %arg4[%get3A_302, %get3A_303] {strides = array<i32>} : memref<200x128xf32, #tpu.memory_space<vmem>>, vector<1x16xf32>,
      %get3A_305 = vector.shape_cast %get3A_304 : vector<1x16xf32> to vector<16xf32>
      %add3A_306 = arith.addf %add3A_264, %get3A_305 : vector<16xf32>
      %get3A_307 = arith.index_cast %scan3A_271 : i32 to index
      %get3A_308 = arith.constant 112 : index
      %get3A_309 = tpu.vector_load %arg4[%get3A_307, %get3A_308] {strides = array<i32>} : memref<200x128xf32, #tpu.memory_space<vmem>>, vector<1x16xf32>,
      %get3A_310 = vector.shape_cast %get3A_309 : vector<1x16xf32> to vector<16xf32>
      %add3A_311 = arith.addf %add3A_269, %get3A_310 : vector<16xf32>
      scf.yield %add3A_276, %add3A_281, %add3A_286, %add3A_291, %add3A_296, %add3A_301, %add3A_306, %add3A_311 : vector<16xf32>, vector<16xf32>, vector<16xf32>, vector<16xf32>, vector<16xf32>, vector<16xf32>, vector<16xf32>, vector<16xf32>
    }
    %scan3A_51 = arith.constant 200 : i32
    %dma_wait3A_52 = arith.constant 0 : i32
    %dma_wait3A_53 = arith.constant 0 : i32
    %dma_wait3A_54 = tpu.memref_slice %arg2[%dma_wait3A_52, %add3A_4, %dma_wait3A_53] : memref<1x100000x128xf32, #tpu.memory_space<hbm>> -> memref<1x200x128xf32, #tpu.memory_space<hbm>>
    %dma_wait3A_55 = tpu.memref_squeeze %dma_wait3A_54 : memref<1x200x128xf32, #tpu.memory_space<hbm>> -> memref<200x128xf32, #tpu.memory_space<hbm>>
    %dma_wait3A_56 = arith.constant 0 : i32
    %dma_wait3A_57 = tpu.memref_slice %arg2[%dma_wait3A_52, %add3A_4, %dma_wait3A_56] : memref<1x100000x128xf32, #tpu.memory_space<hbm>> -> memref<1x200x128xf32, #tpu.memory_space<hbm>>
    %dma_wait3A_58 = tpu.memref_squeeze %dma_wait3A_57 : memref<1x200x128xf32, #tpu.memory_space<hbm>> -> memref<200x128xf32, #tpu.memory_space<hbm>>
    tpu.wait_dma2 semaphore(%arg8 : memref<!tpu.dma_semaphore, #tpu.memory_space<semaphore_mem>>) src(%dma_wait3A_58 : memref<200x128xf32, #tpu.memory_space<hbm>>) dst(%arg5 : memref<200x128xf32, #tpu.memory_space<vmem>>)
    %scan3A_59 = arith.constant 0 : i32
    %scan3A_60 = arith.constant 200 : i32
    %scan3A_61 = arith.addi %scan3A_59, %scan3A_60 : i32
    %scan3A_62 = arith.constant 5 : i32
    %scan3A_63:8 = scf.for %scan3A_96 = %scan3A_59 to %scan3A_61 step %scan3A_62 iter_args(%scan3A_97 = %scan3A_50#0, %scan3A_98 = %scan3A_50#1, %scan3A_99 = %scan3A_50#2, %scan3A_100 = %scan3A_50#3, %scan3A_101 = %scan3A_50#4, %scan3A_102 = %scan3A_50#5, %scan3A_103 = %scan3A_50#6, %scan3A_104 = %scan3A_50#7) -> (vector<16xf32>, vector<16xf32>, vector<16xf32>, vector<16xf32>, vector<16xf32>, vector<16xf32>, vector<16xf32>, vector<16xf32>)  : i32 {
      %get3A = arith.index_cast %scan3A_96 : i32 to index
      %get3A_105 = arith.constant 0 : index
      %get3A_106 = tpu.vector_load %arg5[%get3A, %get3A_105] {strides = array<i32>} : memref<200x128xf32, #tpu.memory_space<vmem>>, vector<1x16xf32>,
      %get3A_107 = vector.shape_cast %get3A_106 : vector<1x16xf32> to vector<16xf32>
      %add3A_108 = arith.addf %scan3A_97, %get3A_107 : vector<16xf32>
      %get3A_109 = arith.index_cast %scan3A_96 : i32 to index
      %get3A_110 = arith.constant 16 : index
      %get3A_111 = tpu.vector_load %arg5[%get3A_109, %get3A_110] {strides = array<i32>} : memref<200x128xf32, #tpu.memory_space<vmem>>, vector<1x16xf32>,
      %get3A_112 = vector.shape_cast %get3A_111 : vector<1x16xf32> to vector<16xf32>
      %add3A_113 = arith.addf %scan3A_98, %get3A_112 : vector<16xf32>
      %get3A_114 = arith.index_cast %scan3A_96 : i32 to index
      %get3A_115 = arith.constant 32 : index
      %get3A_116 = tpu.vector_load %arg5[%get3A_114, %get3A_115] {strides = array<i32>} : memref<200x128xf32, #tpu.memory_space<vmem>>, vector<1x16xf32>,
      %get3A_117 = vector.shape_cast %get3A_116 : vector<1x16xf32> to vector<16xf32>
      %add3A_118 = arith.addf %scan3A_99, %get3A_117 : vector<16xf32>
      %get3A_119 = arith.index_cast %scan3A_96 : i32 to index
      %get3A_120 = arith.constant 48 : index
      %get3A_121 = tpu.vector_load %arg5[%get3A_119, %get3A_120] {strides = array<i32>} : memref<200x128xf32, #tpu.memory_space<vmem>>, vector<1x16xf32>,
      %get3A_122 = vector.shape_cast %get3A_121 : vector<1x16xf32> to vector<16xf32>
      %add3A_123 = arith.addf %scan3A_100, %get3A_122 : vector<16xf32>
      %get3A_124 = arith.index_cast %scan3A_96 : i32 to index
      %get3A_125 = arith.constant 64 : index
      %get3A_126 = tpu.vector_load %arg5[%get3A_124, %get3A_125] {strides = array<i32>} : memref<200x128xf32, #tpu.memory_space<vmem>>, vector<1x16xf32>,
      %get3A_127 = vector.shape_cast %get3A_126 : vector<1x16xf32> to vector<16xf32>
      %add3A_128 = arith.addf %scan3A_101, %get3A_127 : vector<16xf32>
      %get3A_129 = arith.index_cast %scan3A_96 : i32 to index
      %get3A_130 = arith.constant 80 : index
      %get3A_131 = tpu.vector_load %arg5[%get3A_129, %get3A_130] {strides = array<i32>} : memref<200x128xf32, #tpu.memory_space<vmem>>, vector<1x16xf32>,
      %get3A_132 = vector.shape_cast %get3A_131 : vector<1x16xf32> to vector<16xf32>
      %add3A_133 = arith.addf %scan3A_102, %get3A_132 : vector<16xf32>
      %get3A_134 = arith.index_cast %scan3A_96 : i32 to index
      %get3A_135 = arith.constant 96 : index
      %get3A_136 = tpu.vector_load %arg5[%get3A_134, %get3A_135] {strides = array<i32>} : memref<200x128xf32, #tpu.memory_space<vmem>>, vector<1x16xf32>,
      %get3A_137 = vector.shape_cast %get3A_136 : vector<1x16xf32> to vector<16xf32>
      %add3A_138 = arith.addf %scan3A_103, %get3A_137 : vector<16xf32>
      %get3A_139 = arith.index_cast %scan3A_96 : i32 to index
      %get3A_140 = arith.constant 112 : index
      %get3A_141 = tpu.vector_load %arg5[%get3A_139, %get3A_140] {strides = array<i32>} : memref<200x128xf32, #tpu.memory_space<vmem>>, vector<1x16xf32>,
      %get3A_142 = vector.shape_cast %get3A_141 : vector<1x16xf32> to vector<16xf32>
      %add3A_143 = arith.addf %scan3A_104, %get3A_142 : vector<16xf32>
      %scan3A_144 = arith.constant 1 : i32
      %scan3A_145 = arith.addi %scan3A_96, %scan3A_144 : i32
      %get3A_146 = arith.index_cast %scan3A_145 : i32 to index
      %get3A_147 = arith.constant 0 : index
      %get3A_148 = tpu.vector_load %arg5[%get3A_146, %get3A_147] {strides = array<i32>} : memref<200x128xf32, #tpu.memory_space<vmem>>, vector<1x16xf32>,
      %get3A_149 = vector.shape_cast %get3A_148 : vector<1x16xf32> to vector<16xf32>
      %add3A_150 = arith.addf %add3A_108, %get3A_149 : vector<16xf32>
      %get3A_151 = arith.index_cast %scan3A_145 : i32 to index
      %get3A_152 = arith.constant 16 : index
      %get3A_153 = tpu.vector_load %arg5[%get3A_151, %get3A_152] {strides = array<i32>} : memref<200x128xf32, #tpu.memory_space<vmem>>, vector<1x16xf32>,
      %get3A_154 = vector.shape_cast %get3A_153 : vector<1x16xf32> to vector<16xf32>
      %add3A_155 = arith.addf %add3A_113, %get3A_154 : vector<16xf32>
      %get3A_156 = arith.index_cast %scan3A_145 : i32 to index
      %get3A_157 = arith.constant 32 : index
      %get3A_158 = tpu.vector_load %arg5[%get3A_156, %get3A_157] {strides = array<i32>} : memref<200x128xf32, #tpu.memory_space<vmem>>, vector<1x16xf32>,
      %get3A_159 = vector.shape_cast %get3A_158 : vector<1x16xf32> to vector<16xf32>
      %add3A_160 = arith.addf %add3A_118, %get3A_159 : vector<16xf32>
      %get3A_161 = arith.index_cast %scan3A_145 : i32 to index
      %get3A_162 = arith.constant 48 : index
      %get3A_163 = tpu.vector_load %arg5[%get3A_161, %get3A_162] {strides = array<i32>} : memref<200x128xf32, #tpu.memory_space<vmem>>, vector<1x16xf32>,
      %get3A_164 = vector.shape_cast %get3A_163 : vector<1x16xf32> to vector<16xf32>
      %add3A_165 = arith.addf %add3A_123, %get3A_164 : vector<16xf32>
      %get3A_166 = arith.index_cast %scan3A_145 : i32 to index
      %get3A_167 = arith.constant 64 : index
      %get3A_168 = tpu.vector_load %arg5[%get3A_166, %get3A_167] {strides = array<i32>} : memref<200x128xf32, #tpu.memory_space<vmem>>, vector<1x16xf32>,
      %get3A_169 = vector.shape_cast %get3A_168 : vector<1x16xf32> to vector<16xf32>
      %add3A_170 = arith.addf %add3A_128, %get3A_169 : vector<16xf32>
      %get3A_171 = arith.index_cast %scan3A_145 : i32 to index
      %get3A_172 = arith.constant 80 : index
      %get3A_173 = tpu.vector_load %arg5[%get3A_171, %get3A_172] {strides = array<i32>} : memref<200x128xf32, #tpu.memory_space<vmem>>, vector<1x16xf32>,
      %get3A_174 = vector.shape_cast %get3A_173 : vector<1x16xf32> to vector<16xf32>
      %add3A_175 = arith.addf %add3A_133, %get3A_174 : vector<16xf32>
      %get3A_176 = arith.index_cast %scan3A_145 : i32 to index
      %get3A_177 = arith.constant 96 : index
      %get3A_178 = tpu.vector_load %arg5[%get3A_176, %get3A_177] {strides = array<i32>} : memref<200x128xf32, #tpu.memory_space<vmem>>, vector<1x16xf32>,
      %get3A_179 = vector.shape_cast %get3A_178 : vector<1x16xf32> to vector<16xf32>
      %add3A_180 = arith.addf %add3A_138, %get3A_179 : vector<16xf32>
      %get3A_181 = arith.index_cast %scan3A_145 : i32 to index
      %get3A_182 = arith.constant 112 : index
      %get3A_183 = tpu.vector_load %arg5[%get3A_181, %get3A_182] {strides = array<i32>} : memref<200x128xf32, #tpu.memory_space<vmem>>, vector<1x16xf32>,
      %get3A_184 = vector.shape_cast %get3A_183 : vector<1x16xf32> to vector<16xf32>
      %add3A_185 = arith.addf %add3A_143, %get3A_184 : vector<16xf32>
      %scan3A_186 = arith.constant 2 : i32
      %scan3A_187 = arith.addi %scan3A_96, %scan3A_186 : i32
      %get3A_188 = arith.index_cast %scan3A_187 : i32 to index
      %get3A_189 = arith.constant 0 : index
      %get3A_190 = tpu.vector_load %arg5[%get3A_188, %get3A_189] {strides = array<i32>} : memref<200x128xf32, #tpu.memory_space<vmem>>, vector<1x16xf32>,
      %get3A_191 = vector.shape_cast %get3A_190 : vector<1x16xf32> to vector<16xf32>
      %add3A_192 = arith.addf %add3A_150, %get3A_191 : vector<16xf32>
      %get3A_193 = arith.index_cast %scan3A_187 : i32 to index
      %get3A_194 = arith.constant 16 : index
      %get3A_195 = tpu.vector_load %arg5[%get3A_193, %get3A_194] {strides = array<i32>} : memref<200x128xf32, #tpu.memory_space<vmem>>, vector<1x16xf32>,
      %get3A_196 = vector.shape_cast %get3A_195 : vector<1x16xf32> to vector<16xf32>
      %add3A_197 = arith.addf %add3A_155, %get3A_196 : vector<16xf32>
      %get3A_198 = arith.index_cast %scan3A_187 : i32 to index
      %get3A_199 = arith.constant 32 : index
      %get3A_200 = tpu.vector_load %arg5[%get3A_198, %get3A_199] {strides = array<i32>} : memref<200x128xf32, #tpu.memory_space<vmem>>, vector<1x16xf32>,
      %get3A_201 = vector.shape_cast %get3A_200 : vector<1x16xf32> to vector<16xf32>
      %add3A_202 = arith.addf %add3A_160, %get3A_201 : vector<16xf32>
      %get3A_203 = arith.index_cast %scan3A_187 : i32 to index
      %get3A_204 = arith.constant 48 : index
      %get3A_205 = tpu.vector_load %arg5[%get3A_203, %get3A_204] {strides = array<i32>} : memref<200x128xf32, #tpu.memory_space<vmem>>, vector<1x16xf32>,
      %get3A_206 = vector.shape_cast %get3A_205 : vector<1x16xf32> to vector<16xf32>
      %add3A_207 = arith.addf %add3A_165, %get3A_206 : vector<16xf32>
      %get3A_208 = arith.index_cast %scan3A_187 : i32 to index
      %get3A_209 = arith.constant 64 : index
      %get3A_210 = tpu.vector_load %arg5[%get3A_208, %get3A_209] {strides = array<i32>} : memref<200x128xf32, #tpu.memory_space<vmem>>, vector<1x16xf32>,
      %get3A_211 = vector.shape_cast %get3A_210 : vector<1x16xf32> to vector<16xf32>
      %add3A_212 = arith.addf %add3A_170, %get3A_211 : vector<16xf32>
      %get3A_213 = arith.index_cast %scan3A_187 : i32 to index
      %get3A_214 = arith.constant 80 : index
      %get3A_215 = tpu.vector_load %arg5[%get3A_213, %get3A_214] {strides = array<i32>} : memref<200x128xf32, #tpu.memory_space<vmem>>, vector<1x16xf32>,
      %get3A_216 = vector.shape_cast %get3A_215 : vector<1x16xf32> to vector<16xf32>
      %add3A_217 = arith.addf %add3A_175, %get3A_216 : vector<16xf32>
      %get3A_218 = arith.index_cast %scan3A_187 : i32 to index
      %get3A_219 = arith.constant 96 : index
      %get3A_220 = tpu.vector_load %arg5[%get3A_218, %get3A_219] {strides = array<i32>} : memref<200x128xf32, #tpu.memory_space<vmem>>, vector<1x16xf32>,
      %get3A_221 = vector.shape_cast %get3A_220 : vector<1x16xf32> to vector<16xf32>
      %add3A_222 = arith.addf %add3A_180, %get3A_221 : vector<16xf32>
      %get3A_223 = arith.index_cast %scan3A_187 : i32 to index
      %get3A_224 = arith.constant 112 : index
      %get3A_225 = tpu.vector_load %arg5[%get3A_223, %get3A_224] {strides = array<i32>} : memref<200x128xf32, #tpu.memory_space<vmem>>, vector<1x16xf32>,
      %get3A_226 = vector.shape_cast %get3A_225 : vector<1x16xf32> to vector<16xf32>
      %add3A_227 = arith.addf %add3A_185, %get3A_226 : vector<16xf32>
      %scan3A_228 = arith.constant 3 : i32
      %scan3A_229 = arith.addi %scan3A_96, %scan3A_228 : i32
      %get3A_230 = arith.index_cast %scan3A_229 : i32 to index
      %get3A_231 = arith.constant 0 : index
      %get3A_232 = tpu.vector_load %arg5[%get3A_230, %get3A_231] {strides = array<i32>} : memref<200x128xf32, #tpu.memory_space<vmem>>, vector<1x16xf32>,
      %get3A_233 = vector.shape_cast %get3A_232 : vector<1x16xf32> to vector<16xf32>
      %add3A_234 = arith.addf %add3A_192, %get3A_233 : vector<16xf32>
      %get3A_235 = arith.index_cast %scan3A_229 : i32 to index
      %get3A_236 = arith.constant 16 : index
      %get3A_237 = tpu.vector_load %arg5[%get3A_235, %get3A_236] {strides = array<i32>} : memref<200x128xf32, #tpu.memory_space<vmem>>, vector<1x16xf32>,
      %get3A_238 = vector.shape_cast %get3A_237 : vector<1x16xf32> to vector<16xf32>
      %add3A_239 = arith.addf %add3A_197, %get3A_238 : vector<16xf32>
      %get3A_240 = arith.index_cast %scan3A_229 : i32 to index
      %get3A_241 = arith.constant 32 : index
      %get3A_242 = tpu.vector_load %arg5[%get3A_240, %get3A_241] {strides = array<i32>} : memref<200x128xf32, #tpu.memory_space<vmem>>, vector<1x16xf32>,
      %get3A_243 = vector.shape_cast %get3A_242 : vector<1x16xf32> to vector<16xf32>
      %add3A_244 = arith.addf %add3A_202, %get3A_243 : vector<16xf32>
      %get3A_245 = arith.index_cast %scan3A_229 : i32 to index
      %get3A_246 = arith.constant 48 : index
      %get3A_247 = tpu.vector_load %arg5[%get3A_245, %get3A_246] {strides = array<i32>} : memref<200x128xf32, #tpu.memory_space<vmem>>, vector<1x16xf32>,
      %get3A_248 = vector.shape_cast %get3A_247 : vector<1x16xf32> to vector<16xf32>
      %add3A_249 = arith.addf %add3A_207, %get3A_248 : vector<16xf32>
      %get3A_250 = arith.index_cast %scan3A_229 : i32 to index
      %get3A_251 = arith.constant 64 : index
      %get3A_252 = tpu.vector_load %arg5[%get3A_250, %get3A_251] {strides = array<i32>} : memref<200x128xf32, #tpu.memory_space<vmem>>, vector<1x16xf32>,
      %get3A_253 = vector.shape_cast %get3A_252 : vector<1x16xf32> to vector<16xf32>
      %add3A_254 = arith.addf %add3A_212, %get3A_253 : vector<16xf32>
      %get3A_255 = arith.index_cast %scan3A_229 : i32 to index
      %get3A_256 = arith.constant 80 : index
      %get3A_257 = tpu.vector_load %arg5[%get3A_255, %get3A_256] {strides = array<i32>} : memref<200x128xf32, #tpu.memory_space<vmem>>, vector<1x16xf32>,
      %get3A_258 = vector.shape_cast %get3A_257 : vector<1x16xf32> to vector<16xf32>
      %add3A_259 = arith.addf %add3A_217, %get3A_258 : vector<16xf32>
      %get3A_260 = arith.index_cast %scan3A_229 : i32 to index
      %get3A_261 = arith.constant 96 : index
      %get3A_262 = tpu.vector_load %arg5[%get3A_260, %get3A_261] {strides = array<i32>} : memref<200x128xf32, #tpu.memory_space<vmem>>, vector<1x16xf32>,
      %get3A_263 = vector.shape_cast %get3A_262 : vector<1x16xf32> to vector<16xf32>
      %add3A_264 = arith.addf %add3A_222, %get3A_263 : vector<16xf32>
      %get3A_265 = arith.index_cast %scan3A_229 : i32 to index
      %get3A_266 = arith.constant 112 : index
      %get3A_267 = tpu.vector_load %arg5[%get3A_265, %get3A_266] {strides = array<i32>} : memref<200x128xf32, #tpu.memory_space<vmem>>, vector<1x16xf32>,
      %get3A_268 = vector.shape_cast %get3A_267 : vector<1x16xf32> to vector<16xf32>
      %add3A_269 = arith.addf %add3A_227, %get3A_268 : vector<16xf32>
      %scan3A_270 = arith.constant 4 : i32
      %scan3A_271 = arith.addi %scan3A_96, %scan3A_270 : i32
      %get3A_272 = arith.index_cast %scan3A_271 : i32 to index
      %get3A_273 = arith.constant 0 : index
      %get3A_274 = tpu.vector_load %arg5[%get3A_272, %get3A_273] {strides = array<i32>} : memref<200x128xf32, #tpu.memory_space<vmem>>, vector<1x16xf32>,
      %get3A_275 = vector.shape_cast %get3A_274 : vector<1x16xf32> to vector<16xf32>
      %add3A_276 = arith.addf %add3A_234, %get3A_275 : vector<16xf32>
      %get3A_277 = arith.index_cast %scan3A_271 : i32 to index
      %get3A_278 = arith.constant 16 : index
      %get3A_279 = tpu.vector_load %arg5[%get3A_277, %get3A_278] {strides = array<i32>} : memref<200x128xf32, #tpu.memory_space<vmem>>, vector<1x16xf32>,
      %get3A_280 = vector.shape_cast %get3A_279 : vector<1x16xf32> to vector<16xf32>
      %add3A_281 = arith.addf %add3A_239, %get3A_280 : vector<16xf32>
      %get3A_282 = arith.index_cast %scan3A_271 : i32 to index
      %get3A_283 = arith.constant 32 : index
      %get3A_284 = tpu.vector_load %arg5[%get3A_282, %get3A_283] {strides = array<i32>} : memref<200x128xf32, #tpu.memory_space<vmem>>, vector<1x16xf32>,
      %get3A_285 = vector.shape_cast %get3A_284 : vector<1x16xf32> to vector<16xf32>
      %add3A_286 = arith.addf %add3A_244, %get3A_285 : vector<16xf32>
      %get3A_287 = arith.index_cast %scan3A_271 : i32 to index
      %get3A_288 = arith.constant 48 : index
      %get3A_289 = tpu.vector_load %arg5[%get3A_287, %get3A_288] {strides = array<i32>} : memref<200x128xf32, #tpu.memory_space<vmem>>, vector<1x16xf32>,
      %get3A_290 = vector.shape_cast %get3A_289 : vector<1x16xf32> to vector<16xf32>
      %add3A_291 = arith.addf %add3A_249, %get3A_290 : vector<16xf32>
      %get3A_292 = arith.index_cast %scan3A_271 : i32 to index
      %get3A_293 = arith.constant 64 : index
      %get3A_294 = tpu.vector_load %arg5[%get3A_292, %get3A_293] {strides = array<i32>} : memref<200x128xf32, #tpu.memory_space<vmem>>, vector<1x16xf32>,
      %get3A_295 = vector.shape_cast %get3A_294 : vector<1x16xf32> to vector<16xf32>
      %add3A_296 = arith.addf %add3A_254, %get3A_295 : vector<16xf32>
      %get3A_297 = arith.index_cast %scan3A_271 : i32 to index
      %get3A_298 = arith.constant 80 : index
      %get3A_299 = tpu.vector_load %arg5[%get3A_297, %get3A_298] {strides = array<i32>} : memref<200x128xf32, #tpu.memory_space<vmem>>, vector<1x16xf32>,
      %get3A_300 = vector.shape_cast %get3A_299 : vector<1x16xf32> to vector<16xf32>
      %add3A_301 = arith.addf %add3A_259, %get3A_300 : vector<16xf32>
      %get3A_302 = arith.index_cast %scan3A_271 : i32 to index
      %get3A_303 = arith.constant 96 : index
      %get3A_304 = tpu.vector_load %arg5[%get3A_302, %get3A_303] {strides = array<i32>} : memref<200x128xf32, #tpu.memory_space<vmem>>, vector<1x16xf32>,
      %get3A_305 = vector.shape_cast %get3A_304 : vector<1x16xf32> to vector<16xf32>
      %add3A_306 = arith.addf %add3A_264, %get3A_305 : vector<16xf32>
      %get3A_307 = arith.index_cast %scan3A_271 : i32 to index
      %get3A_308 = arith.constant 112 : index
      %get3A_309 = tpu.vector_load %arg5[%get3A_307, %get3A_308] {strides = array<i32>} : memref<200x128xf32, #tpu.memory_space<vmem>>, vector<1x16xf32>,
      %get3A_310 = vector.shape_cast %get3A_309 : vector<1x16xf32> to vector<16xf32>
      %add3A_311 = arith.addf %add3A_269, %get3A_310 : vector<16xf32>
      scf.yield %add3A_276, %add3A_281, %add3A_286, %add3A_291, %add3A_296, %add3A_301, %add3A_306, %add3A_311 : vector<16xf32>, vector<16xf32>, vector<16xf32>, vector<16xf32>, vector<16xf32>, vector<16xf32>, vector<16xf32>, vector<16xf32>
    }
    %scan3A_64 = arith.constant 200 : i32
    %swap3A = arith.constant 0 : index
    %swap3A_65 = tpu.vector_load %arg6[%swap3A] {strides = array<i32>} : memref<128xf32, #tpu.memory_space<vmem>>, vector<16xf32>,
    %swap3A_66 = vector.shape_cast %swap3A_65 : vector<16xf32> to vector<16xf32>
    %swap3A_67 = vector.shape_cast %scan3A_63#0 : vector<16xf32> to vector<16xf32>
    tpu.vector_store %arg6[%swap3A], %swap3A_67 {strides = array<i32>} : memref<128xf32, #tpu.memory_space<vmem>>, vector<16xf32>,
    %swap3A_68 = arith.constant 16 : index
    %swap3A_69 = tpu.vector_load %arg6[%swap3A_68] {strides = array<i32>} : memref<128xf32, #tpu.memory_space<vmem>>, vector<16xf32>,
    %swap3A_70 = vector.shape_cast %swap3A_69 : vector<16xf32> to vector<16xf32>
    %swap3A_71 = vector.shape_cast %scan3A_63#1 : vector<16xf32> to vector<16xf32>
    tpu.vector_store %arg6[%swap3A_68], %swap3A_71 {strides = array<i32>} : memref<128xf32, #tpu.memory_space<vmem>>, vector<16xf32>,
    %swap3A_72 = arith.constant 32 : index
    %swap3A_73 = tpu.vector_load %arg6[%swap3A_72] {strides = array<i32>} : memref<128xf32, #tpu.memory_space<vmem>>, vector<16xf32>,
    %swap3A_74 = vector.shape_cast %swap3A_73 : vector<16xf32> to vector<16xf32>
    %swap3A_75 = vector.shape_cast %scan3A_63#2 : vector<16xf32> to vector<16xf32>
    tpu.vector_store %arg6[%swap3A_72], %swap3A_75 {strides = array<i32>} : memref<128xf32, #tpu.memory_space<vmem>>, vector<16xf32>,
    %swap3A_76 = arith.constant 48 : index
    %swap3A_77 = tpu.vector_load %arg6[%swap3A_76] {strides = array<i32>} : memref<128xf32, #tpu.memory_space<vmem>>, vector<16xf32>,
    %swap3A_78 = vector.shape_cast %swap3A_77 : vector<16xf32> to vector<16xf32>
    %swap3A_79 = vector.shape_cast %scan3A_63#3 : vector<16xf32> to vector<16xf32>
    tpu.vector_store %arg6[%swap3A_76], %swap3A_79 {strides = array<i32>} : memref<128xf32, #tpu.memory_space<vmem>>, vector<16xf32>,
    %swap3A_80 = arith.constant 64 : index
    %swap3A_81 = tpu.vector_load %arg6[%swap3A_80] {strides = array<i32>} : memref<128xf32, #tpu.memory_space<vmem>>, vector<16xf32>,
    %swap3A_82 = vector.shape_cast %swap3A_81 : vector<16xf32> to vector<16xf32>
    %swap3A_83 = vector.shape_cast %scan3A_63#4 : vector<16xf32> to vector<16xf32>
    tpu.vector_store %arg6[%swap3A_80], %swap3A_83 {strides = array<i32>} : memref<128xf32, #tpu.memory_space<vmem>>, vector<16xf32>,
    %swap3A_84 = arith.constant 80 : index
    %swap3A_85 = tpu.vector_load %arg6[%swap3A_84] {strides = array<i32>} : memref<128xf32, #tpu.memory_space<vmem>>, vector<16xf32>,
    %swap3A_86 = vector.shape_cast %swap3A_85 : vector<16xf32> to vector<16xf32>
    %swap3A_87 = vector.shape_cast %scan3A_63#5 : vector<16xf32> to vector<16xf32>
    tpu.vector_store %arg6[%swap3A_84], %swap3A_87 {strides = array<i32>} : memref<128xf32, #tpu.memory_space<vmem>>, vector<16xf32>,
    %swap3A_88 = arith.constant 96 : index
    %swap3A_89 = tpu.vector_load %arg6[%swap3A_88] {strides = array<i32>} : memref<128xf32, #tpu.memory_space<vmem>>, vector<16xf32>,
    %swap3A_90 = vector.shape_cast %swap3A_89 : vector<16xf32> to vector<16xf32>
    %swap3A_91 = vector.shape_cast %scan3A_63#6 : vector<16xf32> to vector<16xf32>
    tpu.vector_store %arg6[%swap3A_88], %swap3A_91 {strides = array<i32>} : memref<128xf32, #tpu.memory_space<vmem>>, vector<16xf32>,
    %swap3A_92 = arith.constant 112 : index
    %swap3A_93 = tpu.vector_load %arg6[%swap3A_92] {strides = array<i32>} : memref<128xf32, #tpu.memory_space<vmem>>, vector<16xf32>,
    %swap3A_94 = vector.shape_cast %swap3A_93 : vector<16xf32> to vector<16xf32>
    %swap3A_95 = vector.shape_cast %scan3A_63#7 : vector<16xf32> to vector<16xf32>
    tpu.vector_store %arg6[%swap3A_92], %swap3A_95 {strides = array<i32>} : memref<128xf32, #tpu.memory_space<vmem>>, vector<16xf32>,
    "tpu.region"() ({
      %run_scoped3A = tpu.sem_alloc : memref<!tpu.dma_semaphore, #tpu.memory_space<semaphore_mem>>
      %dma_start3A_96 = arith.constant 0 : i32
      %dma_start3A_97 = tpu.memref_slice %arg3[%add3A, %dma_start3A_96] : memref<32x128xf32, #tpu.memory_space<hbm>> -> memref<1x128xf32, #tpu.memory_space<hbm>>
      %dma_start3A_98 = tpu.memref_squeeze %dma_start3A_97 : memref<1x128xf32, #tpu.memory_space<hbm>> -> memref<128xf32, #tpu.memory_space<hbm>>
      %dma_start3A_99 = arith.constant 0 : i32
      %dma_start3A_100 = tpu.memref_slice %arg3[%add3A, %dma_start3A_99] : memref<32x128xf32, #tpu.memory_space<hbm>> -> memref<1x128xf32, #tpu.memory_space<hbm>>
      %dma_start3A_101 = tpu.memref_squeeze %dma_start3A_100 : memref<1x128xf32, #tpu.memory_space<hbm>> -> memref<128xf32, #tpu.memory_space<hbm>>
      tpu.enqueue_dma source(%arg6 : memref<128xf32, #tpu.memory_space<vmem>>) target(%dma_start3A_101 : memref<128xf32, #tpu.memory_space<hbm>>) target_semaphore(%run_scoped3A : memref<!tpu.dma_semaphore, #tpu.memory_space<semaphore_mem>>)
      %dma_wait3A_102 = arith.constant 0 : i32
      %dma_wait3A_103 = tpu.memref_slice %arg3[%add3A, %dma_wait3A_102] : memref<32x128xf32, #tpu.memory_space<hbm>> -> memref<1x128xf32, #tpu.memory_space<hbm>>
      %dma_wait3A_104 = tpu.memref_squeeze %dma_wait3A_103 : memref<1x128xf32, #tpu.memory_space<hbm>> -> memref<128xf32, #tpu.memory_space<hbm>>
      %dma_wait3A_105 = arith.constant 0 : i32
      %dma_wait3A_106 = tpu.memref_slice %arg3[%add3A, %dma_wait3A_105] : memref<32x128xf32, #tpu.memory_space<hbm>> -> memref<1x128xf32, #tpu.memory_space<hbm>>
      %dma_wait3A_107 = tpu.memref_squeeze %dma_wait3A_106 : memref<1x128xf32, #tpu.memory_space<hbm>> -> memref<128xf32, #tpu.memory_space<hbm>>
      tpu.wait_dma2 semaphore(%run_scoped3A : memref<!tpu.dma_semaphore, #tpu.memory_space<semaphore_mem>>) src(%arg6 : memref<128xf32, #tpu.memory_space<vmem>>) dst(%dma_wait3A_107 : memref<128xf32, #tpu.memory_space<hbm>>)
      tpu.yield
    }) : () -> ()
    return
  }
}

module attributes {stable_mosaic.version = 14 : i64} {
  func.func @_tc_finish_body(%arg0: memref<32x128xf32, #tpu.memory_space<vmem>>, %arg1: memref<1x128xf32, #tpu.memory_space<vmem>>, %arg2: memref<1x128xf32, #tpu.memory_space<vmem>>, %arg3: memref<256x256xf32, #tpu.memory_space<vmem>>, %arg4: memref<1x256xf32, #tpu.memory_space<vmem>>, %arg5: memref<128x256xf32, #tpu.memory_space<vmem>>, %arg6: memref<1x128xf32, #tpu.memory_space<vmem>>, %arg7: memref<1x128xf32, #tpu.memory_space<vmem>>) attributes {dimension_semantics = [], scalar_prefetch = 0 : i64, scratch_operands = 0 : i64, tpu.core_type = #tpu.core_type<tc>} {
    %get3A = arith.constant 0 : index
    %get3A_0 = arith.constant 0 : index
    %get3A_1 = vector.load %arg0[%get3A, %get3A_0] : memref<32x128xf32, #tpu.memory_space<vmem>>, vector<32x128xf32>
    %reduce_sum3A = arith.constant dense<0.000000e+00> : vector<128xf32>
    %reduce_sum3A_2 = vector.multi_reduction <add>, %get3A_1, %reduce_sum3A [0] : vector<32x128xf32> to vector<128xf32>
    %broadcast_in_dim3A = vector.shape_cast %reduce_sum3A_2 : vector<128xf32> to vector<1x128xf32>
    %get3A_3 = arith.constant 0 : index
    %get3A_4 = arith.constant 0 : index
    %get3A_5 = vector.load %arg1[%get3A_3, %get3A_4] : memref<1x128xf32, #tpu.memory_space<vmem>>, vector<1x128xf32>
    %add3A = arith.addf %broadcast_in_dim3A, %get3A_5 : vector<1x128xf32>
    %mul3A = arith.constant 9.99999974E-6 : f32
    %mul3A_6 = vector.broadcast %mul3A : f32 to vector<1x128xf32>
    %mul3A_7 = arith.mulf %add3A, %mul3A_6 : vector<1x128xf32>
    %get3A_8 = arith.constant 0 : index
    %get3A_9 = arith.constant 0 : index
    %get3A_10 = vector.load %arg2[%get3A_8, %get3A_9] : memref<1x128xf32, #tpu.memory_space<vmem>>, vector<1x128xf32>
    %get3A_11 = arith.constant 0 : index
    %get3A_12 = arith.constant 0 : index
    %get3A_13 = vector.load %arg3[%get3A_11, %get3A_12] : memref<256x256xf32, #tpu.memory_space<vmem>>, vector<256x128xf32>
    %dot_general3A = arith.constant dense<0.000000e+00> : vector<1x256xf32>
    %dot_general3A_14 = tpu.matmul %get3A_10, %get3A_13, %dot_general3A {dimension_numbers = #tpu.dot_dimension_numbers<[1], [1], [0], [0], [0, 0, 1, 0], [], []>, transpose_lhs_hint = false} : vector<1x128xf32>, vector<256x128xf32>, vector<1x256xf32> -> vector<1x256xf32>
    %get3A_15 = arith.constant 0 : index
    %get3A_16 = arith.constant 128 : index
    %get3A_17 = vector.load %arg3[%get3A_15, %get3A_16] : memref<256x256xf32, #tpu.memory_space<vmem>>, vector<256x128xf32>
    %dot_general3A_18 = arith.constant dense<0.000000e+00> : vector<1x256xf32>
    %dot_general3A_19 = tpu.matmul %mul3A_7, %get3A_17, %dot_general3A_18 {dimension_numbers = #tpu.dot_dimension_numbers<[1], [1], [0], [0], [0, 0, 1, 0], [], []>, transpose_lhs_hint = false} : vector<1x128xf32>, vector<256x128xf32>, vector<1x256xf32> -> vector<1x256xf32>
    %add3A_20 = arith.addf %dot_general3A_14, %dot_general3A_19 : vector<1x256xf32>
    %get3A_21 = arith.constant 0 : index
    %get3A_22 = arith.constant 0 : index
    %get3A_23 = vector.load %arg4[%get3A_21, %get3A_22] : memref<1x256xf32, #tpu.memory_space<vmem>>, vector<1x256xf32>
    %add3A_24 = arith.addf %add3A_20, %get3A_23 : vector<1x256xf32>
    %max3A = arith.constant 0.000000e+00 : f32
    %max3A_25 = vector.broadcast %max3A : f32 to vector<1x256xf32>
    %max3A_26 = arith.maximumf %add3A_24, %max3A_25 : vector<1x256xf32>
    %get3A_27 = arith.constant 0 : index
    %get3A_28 = arith.constant 0 : index
    %get3A_29 = vector.load %arg5[%get3A_27, %get3A_28] : memref<128x256xf32, #tpu.memory_space<vmem>>, vector<128x256xf32>
    %dot_general3A_30 = arith.constant dense<0.000000e+00> : vector<1x128xf32>
    %dot_general3A_31 = tpu.matmul %max3A_26, %get3A_29, %dot_general3A_30 {dimension_numbers = #tpu.dot_dimension_numbers<[1], [1], [0], [0], [0, 0, 1, 0], [], []>, transpose_lhs_hint = false} : vector<1x256xf32>, vector<128x256xf32>, vector<1x128xf32> -> vector<1x128xf32>
    %get3A_32 = arith.constant 0 : index
    %get3A_33 = arith.constant 0 : index
    %get3A_34 = vector.load %arg6[%get3A_32, %get3A_33] : memref<1x128xf32, #tpu.memory_space<vmem>>, vector<1x128xf32>
    %add3A_35 = arith.addf %dot_general3A_31, %get3A_34 : vector<1x128xf32>
    %max3A_36 = arith.constant 0.000000e+00 : f32
    %max3A_37 = vector.broadcast %max3A_36 : f32 to vector<1x128xf32>
    %max3A_38 = arith.maximumf %add3A_35, %max3A_37 : vector<1x128xf32>
    %swap3A = arith.constant 0 : index
    %swap3A_39 = arith.constant 0 : index
    %swap3A_40 = vector.load %arg7[%swap3A, %swap3A_39] : memref<1x128xf32, #tpu.memory_space<vmem>>, vector<1x128xf32>
    tpu.vector_store %arg7[%swap3A, %swap3A_39], %max3A_38 {strides = array<i32>} : memref<1x128xf32, #tpu.memory_space<vmem>>, vector<1x128xf32>,
    return
  }
}

module attributes {stable_mosaic.version = 14 : i64} {
  func.func @_tc_reduce_body(%arg0: i32, %arg1: memref<1x872x128xf32, #tpu.memory_space<vmem>>, %arg2: memref<1x872x128xf32, #tpu.memory_space<vmem>>, %arg3: memref<1x872x128xf32, #tpu.memory_space<vmem>>, %arg4: memref<1x872x128xf32, #tpu.memory_space<vmem>>, %arg5: memref<1x872x128xf32, #tpu.memory_space<vmem>>, %arg6: memref<1x872x128xf32, #tpu.memory_space<vmem>>, %arg7: memref<1x872x128xf32, #tpu.memory_space<vmem>>, %arg8: memref<1x872x128xf32, #tpu.memory_space<vmem>>, %arg9: memref<1x872x128xf32, #tpu.memory_space<vmem>>, %arg10: memref<1x872x128xf32, #tpu.memory_space<vmem>>, %arg11: memref<1x128xf32, #tpu.memory_space<vmem>>, %arg12: memref<8x128xf32, #tpu.memory_space<vmem>>) attributes {dimension_semantics = [#tpu.dimension_semantics<arbitrary>], iteration_bounds = array<i64: 10>, scalar_prefetch = 0 : i64, scratch_operands = 1 : i64, tpu.core_type = #tpu.core_type<tc>, window_params = [{transform_indices = @transform_0, window_bounds = array<i64: 1, 872, 128>}, {transform_indices = @transform_1, window_bounds = array<i64: 1, 872, 128>}, {transform_indices = @transform_2, window_bounds = array<i64: 1, 872, 128>}, {transform_indices = @transform_3, window_bounds = array<i64: 1, 872, 128>}, {transform_indices = @transform_4, window_bounds = array<i64: 1, 872, 128>}, {transform_indices = @transform_5, window_bounds = array<i64: 1, 872, 128>}, {transform_indices = @transform_6, window_bounds = array<i64: 1, 872, 128>}, {transform_indices = @transform_7, window_bounds = array<i64: 1, 872, 128>}, {transform_indices = @transform_8, window_bounds = array<i64: 1, 872, 128>}, {transform_indices = @transform_9, window_bounds = array<i64: 1, 872, 128>}, {pipeline_mode = #tpu.pipeline_mode<synchronous>, transform_indices = @transform_10, window_bounds = array<i64: 1, 128>}]} {
    %get3A = arith.constant 0 : index
    %get3A_0 = arith.constant 0 : index
    %get3A_1 = arith.constant 0 : index
    %get3A_2 = vector.load %arg1[%get3A, %get3A_0, %get3A_1] : memref<1x872x128xf32, #tpu.memory_space<vmem>>, vector<1x872x128xf32>
    %reshape3A = vector.shape_cast %get3A_2 : vector<1x872x128xf32> to vector<109x8x128xf32>
    %reduce_sum3A = arith.constant dense<0.000000e+00> : vector<8x128xf32>
    %reduce_sum3A_3 = vector.multi_reduction <add>, %reshape3A, %reduce_sum3A [0] : vector<109x8x128xf32> to vector<8x128xf32>
    %add3A = arith.constant 0.000000e+00 : f32
    %add3A_4 = vector.broadcast %add3A : f32 to vector<8x128xf32>
    %add3A_5 = arith.addf %add3A_4, %reduce_sum3A_3 : vector<8x128xf32>
    %get3A_6 = arith.constant 0 : index
    %get3A_7 = arith.constant 0 : index
    %get3A_8 = arith.constant 0 : index
    %get3A_9 = vector.load %arg2[%get3A_6, %get3A_7, %get3A_8] : memref<1x872x128xf32, #tpu.memory_space<vmem>>, vector<1x872x128xf32>
    %reshape3A_10 = vector.shape_cast %get3A_9 : vector<1x872x128xf32> to vector<109x8x128xf32>
    %reduce_sum3A_11 = arith.constant dense<0.000000e+00> : vector<8x128xf32>
    %reduce_sum3A_12 = vector.multi_reduction <add>, %reshape3A_10, %reduce_sum3A_11 [0] : vector<109x8x128xf32> to vector<8x128xf32>
    %add3A_13 = arith.addf %add3A_5, %reduce_sum3A_12 : vector<8x128xf32>
    %get3A_14 = arith.constant 0 : index
    %get3A_15 = arith.constant 0 : index
    %get3A_16 = arith.constant 0 : index
    %get3A_17 = vector.load %arg3[%get3A_14, %get3A_15, %get3A_16] : memref<1x872x128xf32, #tpu.memory_space<vmem>>, vector<1x872x128xf32>
    %reshape3A_18 = vector.shape_cast %get3A_17 : vector<1x872x128xf32> to vector<109x8x128xf32>
    %reduce_sum3A_19 = arith.constant dense<0.000000e+00> : vector<8x128xf32>
    %reduce_sum3A_20 = vector.multi_reduction <add>, %reshape3A_18, %reduce_sum3A_19 [0] : vector<109x8x128xf32> to vector<8x128xf32>
    %add3A_21 = arith.addf %add3A_13, %reduce_sum3A_20 : vector<8x128xf32>
    %get3A_22 = arith.constant 0 : index
    %get3A_23 = arith.constant 0 : index
    %get3A_24 = arith.constant 0 : index
    %get3A_25 = vector.load %arg4[%get3A_22, %get3A_23, %get3A_24] : memref<1x872x128xf32, #tpu.memory_space<vmem>>, vector<1x872x128xf32>
    %reshape3A_26 = vector.shape_cast %get3A_25 : vector<1x872x128xf32> to vector<109x8x128xf32>
    %reduce_sum3A_27 = arith.constant dense<0.000000e+00> : vector<8x128xf32>
    %reduce_sum3A_28 = vector.multi_reduction <add>, %reshape3A_26, %reduce_sum3A_27 [0] : vector<109x8x128xf32> to vector<8x128xf32>
    %add3A_29 = arith.addf %add3A_21, %reduce_sum3A_28 : vector<8x128xf32>
    %get3A_30 = arith.constant 0 : index
    %get3A_31 = arith.constant 0 : index
    %get3A_32 = arith.constant 0 : index
    %get3A_33 = vector.load %arg5[%get3A_30, %get3A_31, %get3A_32] : memref<1x872x128xf32, #tpu.memory_space<vmem>>, vector<1x872x128xf32>
    %reshape3A_34 = vector.shape_cast %get3A_33 : vector<1x872x128xf32> to vector<109x8x128xf32>
    %reduce_sum3A_35 = arith.constant dense<0.000000e+00> : vector<8x128xf32>
    %reduce_sum3A_36 = vector.multi_reduction <add>, %reshape3A_34, %reduce_sum3A_35 [0] : vector<109x8x128xf32> to vector<8x128xf32>
    %add3A_37 = arith.addf %add3A_29, %reduce_sum3A_36 : vector<8x128xf32>
    %get3A_38 = arith.constant 0 : index
    %get3A_39 = arith.constant 0 : index
    %get3A_40 = arith.constant 0 : index
    %get3A_41 = vector.load %arg6[%get3A_38, %get3A_39, %get3A_40] : memref<1x872x128xf32, #tpu.memory_space<vmem>>, vector<1x872x128xf32>
    %reshape3A_42 = vector.shape_cast %get3A_41 : vector<1x872x128xf32> to vector<109x8x128xf32>
    %reduce_sum3A_43 = arith.constant dense<0.000000e+00> : vector<8x128xf32>
    %reduce_sum3A_44 = vector.multi_reduction <add>, %reshape3A_42, %reduce_sum3A_43 [0] : vector<109x8x128xf32> to vector<8x128xf32>
    %add3A_45 = arith.addf %add3A_37, %reduce_sum3A_44 : vector<8x128xf32>
    %get3A_46 = arith.constant 0 : index
    %get3A_47 = arith.constant 0 : index
    %get3A_48 = arith.constant 0 : index
    %get3A_49 = vector.load %arg7[%get3A_46, %get3A_47, %get3A_48] : memref<1x872x128xf32, #tpu.memory_space<vmem>>, vector<1x872x128xf32>
    %reshape3A_50 = vector.shape_cast %get3A_49 : vector<1x872x128xf32> to vector<109x8x128xf32>
    %reduce_sum3A_51 = arith.constant dense<0.000000e+00> : vector<8x128xf32>
    %reduce_sum3A_52 = vector.multi_reduction <add>, %reshape3A_50, %reduce_sum3A_51 [0] : vector<109x8x128xf32> to vector<8x128xf32>
    %add3A_53 = arith.addf %add3A_45, %reduce_sum3A_52 : vector<8x128xf32>
    %get3A_54 = arith.constant 0 : index
    %get3A_55 = arith.constant 0 : index
    %get3A_56 = arith.constant 0 : index
    %get3A_57 = vector.load %arg8[%get3A_54, %get3A_55, %get3A_56] : memref<1x872x128xf32, #tpu.memory_space<vmem>>, vector<1x872x128xf32>
    %reshape3A_58 = vector.shape_cast %get3A_57 : vector<1x872x128xf32> to vector<109x8x128xf32>
    %reduce_sum3A_59 = arith.constant dense<0.000000e+00> : vector<8x128xf32>
    %reduce_sum3A_60 = vector.multi_reduction <add>, %reshape3A_58, %reduce_sum3A_59 [0] : vector<109x8x128xf32> to vector<8x128xf32>
    %add3A_61 = arith.addf %add3A_53, %reduce_sum3A_60 : vector<8x128xf32>
    %get3A_62 = arith.constant 0 : index
    %get3A_63 = arith.constant 0 : index
    %get3A_64 = arith.constant 0 : index
    %get3A_65 = vector.load %arg9[%get3A_62, %get3A_63, %get3A_64] : memref<1x872x128xf32, #tpu.memory_space<vmem>>, vector<1x872x128xf32>
    %reshape3A_66 = vector.shape_cast %get3A_65 : vector<1x872x128xf32> to vector<109x8x128xf32>
    %reduce_sum3A_67 = arith.constant dense<0.000000e+00> : vector<8x128xf32>
    %reduce_sum3A_68 = vector.multi_reduction <add>, %reshape3A_66, %reduce_sum3A_67 [0] : vector<109x8x128xf32> to vector<8x128xf32>
    %add3A_69 = arith.addf %add3A_61, %reduce_sum3A_68 : vector<8x128xf32>
    %get3A_70 = arith.constant 0 : index
    %get3A_71 = arith.constant 0 : index
    %get3A_72 = arith.constant 0 : index
    %get3A_73 = vector.load %arg10[%get3A_70, %get3A_71, %get3A_72] : memref<1x872x128xf32, #tpu.memory_space<vmem>>, vector<1x872x128xf32>
    %reshape3A_74 = vector.shape_cast %get3A_73 : vector<1x872x128xf32> to vector<109x8x128xf32>
    %reduce_sum3A_75 = arith.constant dense<0.000000e+00> : vector<8x128xf32>
    %reduce_sum3A_76 = vector.multi_reduction <add>, %reshape3A_74, %reduce_sum3A_75 [0] : vector<109x8x128xf32> to vector<8x128xf32>
    %add3A_77 = arith.addf %add3A_69, %reduce_sum3A_76 : vector<8x128xf32>
    %eq3A = arith.constant 0 : i32
    %eq3A_78 = arith.cmpi eq, %arg0, %eq3A : i32
    %convert_element_type3A = arith.extui %eq3A_78 : i1 to i32
    %cond3A = arith.constant 0 : i32
    %cond3A_79 = arith.cmpi ne, %convert_element_type3A, %cond3A : i32
    scf.if %cond3A_79 {
      %swap3A = arith.constant 0 : index
      %swap3A_89 = arith.constant 0 : index
      %swap3A_90 = vector.load %arg12[%swap3A, %swap3A_89] : memref<8x128xf32, #tpu.memory_space<vmem>>, vector<8x128xf32>
      tpu.vector_store %arg12[%swap3A, %swap3A_89], %add3A_77 {strides = array<i32>} : memref<8x128xf32, #tpu.memory_space<vmem>>, vector<8x128xf32>,
    } else {
    }
    %ne3A = arith.constant 0 : i32
    %ne3A_80 = arith.cmpi ne, %arg0, %ne3A : i32
    %convert_element_type3A_81 = arith.extui %ne3A_80 : i1 to i32
    %cond3A_82 = arith.constant 0 : i32
    %cond3A_83 = arith.cmpi ne, %convert_element_type3A_81, %cond3A_82 : i32
    scf.if %cond3A_83 {
      %get3A_89 = arith.constant 0 : index
      %get3A_90 = arith.constant 0 : index
      %get3A_91 = vector.load %arg12[%get3A_89, %get3A_90] : memref<8x128xf32, #tpu.memory_space<vmem>>, vector<8x128xf32>
      %add3A_92 = arith.addf %get3A_91, %add3A_77 : vector<8x128xf32>
      %swap3A = arith.constant 0 : index
      %swap3A_93 = arith.constant 0 : index
      %swap3A_94 = vector.load %arg12[%swap3A, %swap3A_93] : memref<8x128xf32, #tpu.memory_space<vmem>>, vector<8x128xf32>
      tpu.vector_store %arg12[%swap3A, %swap3A_93], %add3A_92 {strides = array<i32>} : memref<8x128xf32, #tpu.memory_space<vmem>>, vector<8x128xf32>,
    } else {
    }
    %eq3A_84 = arith.constant 9 : i32
    %eq3A_85 = arith.cmpi eq, %arg0, %eq3A_84 : i32
    %convert_element_type3A_86 = arith.extui %eq3A_85 : i1 to i32
    %cond3A_87 = arith.constant 0 : i32
    %cond3A_88 = arith.cmpi ne, %convert_element_type3A_86, %cond3A_87 : i32
    scf.if %cond3A_88 {
      %get3A_89 = arith.constant 0 : index
      %get3A_90 = arith.constant 0 : index
      %get3A_91 = vector.load %arg12[%get3A_89, %get3A_90] : memref<8x128xf32, #tpu.memory_space<vmem>>, vector<8x128xf32>
      %reduce_sum3A_92 = arith.constant dense<0.000000e+00> : vector<128xf32>
      %reduce_sum3A_93 = vector.multi_reduction <add>, %get3A_91, %reduce_sum3A_92 [0] : vector<8x128xf32> to vector<128xf32>
      %broadcast_in_dim3A = vector.shape_cast %reduce_sum3A_93 : vector<128xf32> to vector<1x128xf32>
      %swap3A = arith.constant 0 : index
      %swap3A_94 = arith.constant 0 : index
      %swap3A_95 = vector.load %arg11[%swap3A, %swap3A_94] : memref<1x128xf32, #tpu.memory_space<vmem>>, vector<1x128xf32>
      tpu.vector_store %arg11[%swap3A, %swap3A_94], %broadcast_in_dim3A {strides = array<i32>} : memref<1x128xf32, #tpu.memory_space<vmem>>, vector<1x128xf32>,
    } else {
    }
    return
  }
  func.func @transform_0(%arg0: i32) -> (i32, i32, i32) {
    %add3A = arith.constant 0 : i32
    %add3A_0 = arith.addi %arg0, %add3A : i32
    %add3A_1 = arith.constant 0 : i32
    %add3A_2 = arith.addi %add3A_0, %add3A_1 : i32
    %c0_i32 = arith.constant 0 : i32
    %c0_i32_3 = arith.constant 0 : i32
    %c0_i32_4 = arith.constant 0 : i32
    return %c0_i32, %add3A_2, %c0_i32_3 : i32, i32, i32
  }
  func.func @transform_1(%arg0: i32) -> (i32, i32, i32) {
    %add3A = arith.constant 0 : i32
    %add3A_0 = arith.addi %arg0, %add3A : i32
    %add3A_1 = arith.constant 10 : i32
    %add3A_2 = arith.addi %add3A_0, %add3A_1 : i32
    %c0_i32 = arith.constant 0 : i32
    %c0_i32_3 = arith.constant 0 : i32
    %c0_i32_4 = arith.constant 0 : i32
    return %c0_i32, %add3A_2, %c0_i32_3 : i32, i32, i32
  }
  func.func @transform_2(%arg0: i32) -> (i32, i32, i32) {
    %add3A = arith.constant 0 : i32
    %add3A_0 = arith.addi %arg0, %add3A : i32
    %add3A_1 = arith.constant 20 : i32
    %add3A_2 = arith.addi %add3A_0, %add3A_1 : i32
    %c0_i32 = arith.constant 0 : i32
    %c0_i32_3 = arith.constant 0 : i32
    %c0_i32_4 = arith.constant 0 : i32
    return %c0_i32, %add3A_2, %c0_i32_3 : i32, i32, i32
  }
  func.func @transform_3(%arg0: i32) -> (i32, i32, i32) {
    %add3A = arith.constant 0 : i32
    %add3A_0 = arith.addi %arg0, %add3A : i32
    %add3A_1 = arith.constant 30 : i32
    %add3A_2 = arith.addi %add3A_0, %add3A_1 : i32
    %c0_i32 = arith.constant 0 : i32
    %c0_i32_3 = arith.constant 0 : i32
    %c0_i32_4 = arith.constant 0 : i32
    return %c0_i32, %add3A_2, %c0_i32_3 : i32, i32, i32
  }
  func.func @transform_4(%arg0: i32) -> (i32, i32, i32) {
    %add3A = arith.constant 0 : i32
    %add3A_0 = arith.addi %arg0, %add3A : i32
    %add3A_1 = arith.constant 40 : i32
    %add3A_2 = arith.addi %add3A_0, %add3A_1 : i32
    %c0_i32 = arith.constant 0 : i32
    %c0_i32_3 = arith.constant 0 : i32
    %c0_i32_4 = arith.constant 0 : i32
    return %c0_i32, %add3A_2, %c0_i32_3 : i32, i32, i32
  }
  func.func @transform_5(%arg0: i32) -> (i32, i32, i32) {
    %add3A = arith.constant 0 : i32
    %add3A_0 = arith.addi %arg0, %add3A : i32
    %add3A_1 = arith.constant 50 : i32
    %add3A_2 = arith.addi %add3A_0, %add3A_1 : i32
    %c0_i32 = arith.constant 0 : i32
    %c0_i32_3 = arith.constant 0 : i32
    %c0_i32_4 = arith.constant 0 : i32
    return %c0_i32, %add3A_2, %c0_i32_3 : i32, i32, i32
  }
  func.func @transform_6(%arg0: i32) -> (i32, i32, i32) {
    %add3A = arith.constant 0 : i32
    %add3A_0 = arith.addi %arg0, %add3A : i32
    %add3A_1 = arith.constant 60 : i32
    %add3A_2 = arith.addi %add3A_0, %add3A_1 : i32
    %c0_i32 = arith.constant 0 : i32
    %c0_i32_3 = arith.constant 0 : i32
    %c0_i32_4 = arith.constant 0 : i32
    return %c0_i32, %add3A_2, %c0_i32_3 : i32, i32, i32
  }
  func.func @transform_7(%arg0: i32) -> (i32, i32, i32) {
    %add3A = arith.constant 0 : i32
    %add3A_0 = arith.addi %arg0, %add3A : i32
    %add3A_1 = arith.constant 70 : i32
    %add3A_2 = arith.addi %add3A_0, %add3A_1 : i32
    %c0_i32 = arith.constant 0 : i32
    %c0_i32_3 = arith.constant 0 : i32
    %c0_i32_4 = arith.constant 0 : i32
    return %c0_i32, %add3A_2, %c0_i32_3 : i32, i32, i32
  }
  func.func @transform_8(%arg0: i32) -> (i32, i32, i32) {
    %add3A = arith.constant 0 : i32
    %add3A_0 = arith.addi %arg0, %add3A : i32
    %add3A_1 = arith.constant 80 : i32
    %add3A_2 = arith.addi %add3A_0, %add3A_1 : i32
    %c0_i32 = arith.constant 0 : i32
    %c0_i32_3 = arith.constant 0 : i32
    %c0_i32_4 = arith.constant 0 : i32
    return %c0_i32, %add3A_2, %c0_i32_3 : i32, i32, i32
  }
  func.func @transform_9(%arg0: i32) -> (i32, i32, i32) {
    %add3A = arith.constant 0 : i32
    %add3A_0 = arith.addi %arg0, %add3A : i32
    %add3A_1 = arith.constant 90 : i32
    %add3A_2 = arith.addi %add3A_0, %add3A_1 : i32
    %c0_i32 = arith.constant 0 : i32
    %c0_i32_3 = arith.constant 0 : i32
    %c0_i32_4 = arith.constant 0 : i32
    return %c0_i32, %add3A_2, %c0_i32_3 : i32, i32, i32
  }
  func.func @transform_10(%arg0: i32) -> (i32, i32) {
    %c0_i32 = arith.constant 0 : i32
    %c0_i32_0 = arith.constant 0 : i32
    %c0_i32_1 = arith.constant 0 : i32
    return %c0_i32, %c0_i32_0 : i32, i32
  }
}

</mosaic_0001>

<sc_bundles>
// kernel: kernel.5.cloned.1.call-start
scs
__scs_entry_jumppad:
0x0: {  	(pc) =	sbr.rel $0x88, $3  }
0x1: {  	(tag) =	ssettag $0x0;
	lr =	simm.s32 $0x1  }
0x2: {  	[smem:$0x3F9B] =	sst lr;
	_ =	strace $0xD0000000  }
0x3: {  	_ = 	snop  }
0x4: {  	_ = 	snop  }
0x5: {  	_ = 	snop  }
0x6: {  	_ = 	snop  }
0x7: {  	_ = 	snop  }
__scs_overlays_trampoline_lowered:
0x8: {  	[smem:$0x3FAA] =	sst s0  }
0x9: {  	[smem:$0x3FAB] =	sst s1  }
0xa: {  	[smem:$0x3FAC] =	sst s2  }
0xb: {  	[smem:$0x3FAD] =	sst s3  }
0xc: {  	[smem:$0x3FAE] =	sst s4  }
0xd: {  	[smem:$0x3FAF] =	sst s5  }
0xe: {  	[smem:$0x3FB0] =	sst s6  }
0xf: {  	[smem:$0x3FB1] =	sst s7  }
0x10: {  	[smem:$0x3FB2] =	sst s8  }
0x11: {  	[smem:$0x3FB3] =	sst s9;
	s0 =	simm.s32 @!p0 $0x0  }
0x12: {  	s1 =	sld [smem:$0x3F99];
	s0 =	simm.s32 @p0 $0x1  }
0x13: {  	[smem:$0x3FB4] =	sst s0;
	s0 =	simm.s32 @!p1 $0x0  }
0x14: {  	s2 =	sld [smem:$0x3F98];
	s0 =	simm.s32 @p1 $0x1  }
0x15: {  	[smem:$0x3FB5] =	sst s0;
	s0 =	simm.s32 @!p2 $0x0  }
0x16: {  	s3 =	sld [smem:$0x3FDB];
	s0 =	simm.s32 @p2 $0x1  }
0x17: {  	s4 =	simm.s32 $0x1BF5;
	[smem:$0x3FB7] =	sst s0  }
0x18: {  	s0 =	sld [smem:$0x3F9A];
	_ =	swait.ge [sflag:s4], $0x0  }
0x19: {  	s7 =	sld [smem:$0x3F9B]  }
0x1a: {  	s8 =	sadd.s32 $0xFFFFE003, lr  }
0x1b: {  	s9 =	sadd.s32 $0xFFFFFEF7, lr;
	s5 =	simm.s32 $0xFFFFFFFF;
	p2 =	slt.u32 s8, $0xFFFFF086  }
0x1c: {  	p1 =	slt.u32 s9, $0xF7A;
	s5 =	simm.s32 @!p2 $0x0  }
0x1d: {  	s5 =	simm.s32 @p1 $0x1;
	p0 =	seq.s32 s7, s2  }
0x1e: {  	s7 =	smul.u32 @!p0 $0xF7A, s2;
	p2 =	seq.s32 @!p0 s5, $0x0  }
0x1f: {  	s9 =	smul.u32 $0xF7A, s1;
	s8 =	simm.s32 @!p0 $0x1BF5;
	p2 =	por !p2, p0  }
0x20: {  	[sflag:s8] =	ssyncset.s32 @!p0 $0xFFFFF086;
	s6 =	sadd.s32 @!p0 s3, s7;
	s7 =	simm.s32 @!p0 $0x108  }
0x21: {  	s3 =	sadd.s32 s3, s9;
	s6 =	sadd.s32 @!p0 $0x88, s6;
	s7 =	simm.s32 @p2 $0x1082  }
0x22: {  	[simem:s7], [sflag:s8] =	dma.local @!p0 [hbm:s6], $0xF7A  }
0x23: {  	s9 =	sor.u32 $0xD0000000, s2;
	s6 =	simm.s32 $0x108;
	_ =	swait.ge @!p0 [sflag:s8], $0x0  }
0x24: {  	s3 =	sadd.s32 $0x88, s3;
	s6 =	simm.s32 @!p1 $0x1082;
	[sflag:s4] =	ssyncset.s32 $0xFFFFF086  }
0x25: {  	[simem:s6], [sflag:s4] =	dma.local [hbm:s3], $0xF7A  }
0x26: {  	[smem:$0x3F9B] =	sst s1;
	(tag) =	ssettag s2;
	_ =	strace s9  }
0x27: {  	s1 =	sld [smem:$0x3FAB]  }
0x28: {  	s2 =	sld [smem:$0x3FAC]  }
0x29: {  	s4 =	sld [smem:$0x3FAE]  }
0x2a: {  	p0 =	seq.s32 s5, $0x0;
	s5 =	sld [smem:$0x3FAF]  }
0x2b: {  	s6 =	sld [smem:$0x3FB0]  }
0x2c: {  	s7 =	sld [smem:$0x3FB1]  }
0x2d: {  	s3 =	simm.s32 $0x108;
	s8 =	sld [smem:$0x3FB2]  }
0x2e: {  	s3 =	simm.s32 @!p0 $0x1082;
	s9 =	sld [smem:$0x3FB3]  }
0x2f: {  	lr =	sadd.s32 s0, s3;
	s0 =	sld [smem:$0x3FAA]  }
0x30: {  	s3 =	sld [smem:$0x3FAD]  }
0x31: {  	[smem:$0x3FB6] =	sst s10  }
0x32: {  	s10 =	sld [smem:$0x3FB4];
	_ =	sdelay $0x3  }
0x33: {  	p0 =	seq.s32 s10, $0x1;
	s10 =	sld [smem:$0x3FB6];
	_ =	sdelay $0x3  }
0x34: {  	[smem:$0x3FB6] =	sst s10  }
0x35: {  	s10 =	sld [smem:$0x3FB5];
	_ =	sdelay $0x3  }
0x36: {  	p1 =	seq.s32 s10, $0x1;
	s10 =	sld [smem:$0x3FB6];
	_ =	sdelay $0x3  }
0x37: {  	[smem:$0x3FB6] =	sst s10  }
0x38: {  	s10 =	sld [smem:$0x3FB7]  }
0x39: {  	_ = 	snop;
	(pc) =	sbr.ind lr, $3  }
0x3a: {  	_ = 	snop  }
0x3b: {  	_ = 	snop  }
0x3c: {  	p2 =	seq.s32 s10, $0x1;
	s10 =	sld [smem:$0x3FB6]  }
0x3d: {  	_ =	shalt  }
0x3e: {  	_ =	shalt  }
0x3f: {  	_ =	shalt  }
0x40: {  	_ =	shalt  }
0x41: {  	_ =	shalt  }
0x42: {  	_ =	shalt  }
0x43: {  	_ =	shalt  }
0x44: {  	_ =	shalt  }
0x45: {  	_ =	shalt  }
0x46: {  	_ =	shalt  }
0x47: {  	_ =	shalt  }
0x48: {  	_ =	shalt  }
0x49: {  	_ =	shalt  }
0x4a: {  	_ =	shalt  }
0x4b: {  	_ =	shalt  }
0x4c: {  	_ =	shalt  }
0x4d: {  	_ =	shalt  }
0x4e: {  	_ =	shalt  }
0x4f: {  	_ =	shalt  }
0x50: {  	_ =	shalt  }
0x51: {  	_ =	shalt  }
0x52: {  	_ =	shalt  }
0x53: {  	_ =	shalt  }
0x54: {  	_ =	shalt  }
0x55: {  	_ =	shalt  }
0x56: {  	_ =	shalt  }
0x57: {  	_ =	shalt  }
0x58: {  	_ =	shalt  }
0x59: {  	_ =	shalt  }
0x5a: {  	_ =	shalt  }
0x5b: {  	_ =	shalt  }
0x5c: {  	_ =	shalt  }
0x5d: {  	_ =	shalt  }
0x5e: {  	_ =	shalt  }
0x5f: {  	_ =	shalt  }
0x60: {  	_ =	shalt  }
0x61: {  	_ =	shalt  }
0x62: {  	_ =	shalt  }
0x63: {  	_ =	shalt  }
0x64: {  	_ =	shalt  }
0x65: {  	_ =	shalt  }
0x66: {  	_ =	shalt  }
0x67: {  	_ =	shalt  }
0x68: {  	_ =	shalt  }
0x69: {  	_ =	shalt  }
0x6a: {  	_ =	shalt  }
0x6b: {  	_ =	shalt  }
0x6c: {  	_ =	shalt  }
0x6d: {  	_ =	shalt  }
0x6e: {  	_ =	shalt  }
0x6f: {  	_ =	shalt  }
0x70: {  	_ =	shalt  }
0x71: {  	_ =	shalt  }
0x72: {  	_ =	shalt  }
0x73: {  	_ =	shalt  }
0x74: {  	_ =	shalt  }
0x75: {  	_ =	shalt  }
0x76: {  	_ =	shalt  }
0x77: {  	_ =	shalt  }
0x78: {  	_ =	shalt  }
0x79: {  	_ =	shalt  }
0x7a: {  	_ =	shalt  }
0x7b: {  	_ =	shalt  }
0x7c: {  	_ =	shalt  }
0x7d: {  	_ =	shalt  }
0x7e: {  	_ =	shalt  }
0x7f: {  	_ =	shalt  }
0x80: {  	_ =	shalt  }
0x81: {  	_ =	shalt  }
0x82: {  	_ =	shalt  }
0x83: {  	_ =	shalt  }
0x84: {  	_ =	shalt  }
0x85: {  	_ =	shalt  }
0x86: {  	_ =	shalt  }
0x87: {  	_ =	shalt  }
.Lfunc_end0:
.L_simem_size_0:
called_computation_lowered:
.L_overlay_start_0:
0x88: {  	s2 =	sld [smem:$0x3FD9]  }
0x89: {  	s3 =	sld [smem:$0x3FFE];
	_ =	sdelay $0x1  }
0x8a: {  	s1 =	srdreg.scid  }
0x8b: {  	s0 =	sand.u32 $0x1, s1  }
0x8c: {  	s17 =	sshll.u32 s0, $0xA;
	s2 =	sadd.s32 s3, s2  }
0x8d: {  	s2 =	sadd.s32 s2, s17  }
0x8e: {  	[smem:$0x3FC2] =	sst s2  }
0x8f: {  	_ = 	snop  }
0x90: {  	s2 =	sld [smem:$0x3FC8];
	(tm) =	ssettm $0x1  }
0x91: {  	s18 =	sld [smem:$0x3FFB];
	_ =	sdelay $0x3  }
0x92: {  	_ =	strace s18  }
0x93: {  	s3 =	sld [smem:$0x3FFC];
	_ =	sdelay $0x3  }
0x94: {  	_ =	strace s3  }
0x95: {  	s3 =	sld [smem:$0x3FFD];
	_ =	sdelay $0x3  }
0x96: {  	_ =	strace s3  }
0x97: {  	_ =	strace $0x8FFFFFFF  }
0x98: {  	s19 =	sld [smem:$0x3FDB];
	_ =	sdelay $0x1  }
0x99: {  	s4 =	simm.s32 $_scs_section_size  }
0x9a: {  	s5 =	simm.s32 $_size__tile_overlayer_lowered;
	s6 =	simm.s32 $_tile_overlayer_lowered  }
0x9b: {  	s22 =	simm.s32 $0x1BFF;
	s21 =	sshll.u32 s6, $0x1;
	s3 =	sadd.s32 s4, s19  }
0x9c: {  	s7 =	simm.s32 $0x0;
	s20 =	sshll.u32 s5, $0x1;
	s5 =	sadd.s32 s21, s3  }
0x9d: {  	[timem:s7], [sflag:s22] =	dma.local [hbm:s5], s20  }
0x9e: {  	_ =	swait.ge [sflag:s22], s20  }
0x9f: {  	s4 =	ssub.s32 $0x0, s20;
	[sflag:s22] =	ssyncset.done $0x0  }
0xa0: {  	[sflag:s22] =	ssyncadd.s32 s4;
	_ =	sdelay $0x1  }
0xa1: {  	s23 =	simm.s32 $0x1B8B  }
0xa2: {  	_ =	swait.ge [sflag:s23], $0x1  }
0xa3: {  	[sflag:s23] =	ssyncset.done $0x0  }
0xa4: {  	s25 =	simm.s32 $0x1B8E;
	s24 =	sld [smem:$0x3FFE];
	[sflag:s23] =	ssyncadd.s32 $0xFFFFFFFF  }
0xa5: {  	s26 =	simm.s32 $execute0_lowered;
	[smem:$0x3FD2] =	sst s25  }
0xa6: {  	s5 =	sshll.u32 s26, $0x1;
	_ =	strace $0x80000046;
	[dreg:$0x1] =	wrdreg $0xFFFFFFFF  }
0xa7: {  	s28 =	simm.s32 $_size_execute0_lowered;
	s3 =	sadd.s32 s3, s5;
	[dreg:$0x0] =	wrdreg $0x0  }
0xa8: {  	s5 =	sshll.u32 s28, $0x1;
	[dreg:$0x2] =	wrdreg s3  }
0xa9: {  	[dreg:$0x3] =	wrdreg s5  }
0xaa: {  	[dreg:$0x4] =	wrdreg $0xC0  }
0xab: {  	_ =	task [dreg:s7], $0x5FFFF  }
0xac: {  	[dreg:$0x1] =	wrdreg $0xFFFFFFFF  }
0xad: {  	[dreg:$0x0] =	wrdreg $0x60  }
0xae: {  	[dreg:$0x2] =	wrdreg s2  }
0xaf: {  	[dreg:$0x3] =	wrdreg s24  }
0xb0: {  	[dreg:$0x4] =	wrdreg $0x9  }
0xb1: {  	_ =	task.clear_ibuf [dreg:s7], $0x5FFFF;
	_ =	strace $0x90000046  }
0xb2: {  	s29 =	simm.s32 $0x9;
	_ =	strace $0x80000048  }
0xb3: {  	_ =	swait.ge [sflag:s29], $0x1  }
0xb4: {  	[sflag:s29] =	ssyncadd.s32 $0xFFFFFFFF  }
0xb5: {  	_ =	strace $0x90000048  }
0xb6: {  	_ =	sfence  }
0xb7: {  	s30 =	sld [smem:$0x0];
	_ =	sdelay $0x2  }
0xb8: {  	s31 =	sshll.u32 s1, $0xD;
	s1 =	sshrl.u32 s1, $0x2  }
0xb9: {  	s3 =	sand.u32 $0x4000, s31;
	s1 =	sadd.s32 s1, s30  }
0xba: {  	s0 =	sor.u32 s3, s0;
	s1 =	sshll.u32 s1, $0x11  }
0xbb: {  	s0 =	sor.u32 s1, s0  }
0xbc: {  	s0 =	sadd.s32 $0x8F2B, s0  }
0xbd: {  	[sflag:s0] =	ssyncadd.remote.s32 $0x1  }
0xbe: {  	_ =	sfence.sel $0xFFFF  }
0xbf: {  	[dreg:$0x0] =	wrdreg $0xFFFFFFFF;
	(pc) =	sbr.abs _section_cstart, $3  }
0xc0: {  	[dreg:$0x1] =	wrdreg $0xFFFFFFFF  }
0xc1: {  	_ =	task.clear_ibuf [dreg:s7], $0x2FFFF;
	_ =	strace $0x9FFFFFFF  }
0xc2: {  	(tm) =	ssettm $0x7FFFFFFF  }
0xc3: {  	_ =	shalt  }
tec
execute0_lowered:
.L_overlay_start_1:
0x0: {  	(tag) =	ssettag $0x1  }
0x1: {  	s1 =	srdreg.scid;
	s3 =	rddreg [dreg:$0x0]  }
0x2: {  	s0 =	stileid.u32;
	s5 =	rddreg [dreg:$0x1];
	s2 =	simm.s32 $0x0  }
0x3: {  	s9 =	simm.s32 $0x2;
	s4 =	sand.u32 $0x1, s1;
	s30 =	sshll.u32 s0, $0x1  }
0x4: {  	s10 =	simm.s32 $0xC800;
	s11 =	simm.s32 $0x3;
	s6 =	sor.u32 s4, s30  }
0x5: {  	s12 =	simm.s32 $0x0;
	[smem:$0x7FF] =	sst s2;
	s7 =	smul.u32 $0xC800, s6  }
0x6: {  	s1 =	rddreg [dreg:$0x2];
	_ =	strace $0x80000047;
	s4 =	ssub.s32 $0x2, s4  }
0x7: {  	s6 =	sshll.u32 s6, $0x4;
	s8 =	sshrl.u32 s4, $0x1;
	s7 =	sshrl.u32 s7, $0x3  }
0x8: {  	s5 =	sadd.s32 s6, s5;
	s31 =	ssub.s32 s4, s8;
	s7 =	sadd.s32 s3, s7  }
0x9: {  	s8 =	simm.s32 $0x1;
	s5 =	sadd.s32 $0x1000, s5;
	s3 =	sadd.s32 $0x154A00, s7  }
0xa: {  	s6 =	smax.u32 s31, $0x1;
	s4 =	sadd.s32 $0x155680, s7;
	s7 =	simm.s32 $0x6400  }
.LBB2_1:
0xb: {  	[tilespmem:s2], [sflag:$0x1] =	stream.linear.gather [hbm4b:s3+s2], $0x6400, $0x38;
	[tilespmem:$0xC880] =	vst v63  }
0xc: {  	_ = 	snop  }
0xd: {  	[tilespmem:s7], [sflag:$0x2] =	stream.linear.gather [hbm4b:s4+s2], $0x6400, $0x38;
	[tilespmem:$0xC880] =	vst v63  }
0xe: {  	_ =	swait.ge [sflag:s8], $0x6400  }
0xf: {  	[sflag:s8] =	ssyncset.done $0x0  }
0x10: {  	s14 =	simm.s32 $0x140;
	[sflag:s8] =	ssyncadd.s32 $0xFFFF9C00  }
0x11: {  	v2 =	vld [tilespmem:s14+$0xC0]  }
0x12: {  	v3 =	vld [tilespmem:s14+$0xD0]  }
0x13: {  	v6 =	vld [tilespmem:s14+$0xE0]  }
0x14: {  	v7 =	vld [tilespmem:s14+$0xF0]  }
0x15: {  	v0 =	vld [tilespmem:s14+$0x100]  }
0x16: {  	v1 =	vld [tilespmem:s14+$0x110]  }
0x17: {  	v8 =	vld [tilespmem:s14+$0x40]  }
0x18: {  	v9 =	vld [tilespmem:s14+$0x50]  }
0x19: {  	v10 =	vld [tilespmem:s14+$0x60]  }
0x1a: {  	v11 =	vld [tilespmem:s14+$0x70]  }
0x1b: {  	v4 =	vld [tilespmem:s14+$0x80]  }
0x1c: {  	v5 =	vld [tilespmem:s14+$0x90]  }
0x1d: {  	v12 =	vld [tilespmem:s14+$0xFFFFFFC0]  }
0x1e: {  	v13 =	vld [tilespmem:s14+$0xFFFFFFD0]  }
0x1f: {  	v14 =	vld [tilespmem:s14+$0xFFFFFFE0]  }
0x20: {  	v15 =	vld [tilespmem:s14+$0xFFFFFFF0]  }
0x21: {  	v16 =	vld [tilespmem:s14+$0xFFFFFF40]  }
0x22: {  	v17 =	vld [tilespmem:s14+$0xFFFFFF50]  }
0x23: {  	v18 =	vld [tilespmem:s14+$0xFFFFFEC0]  }
0x24: {  	v19 =	vld [tilespmem:s14+$0xFFFFFED0]  }
0x25: {  	v20 =	vld [tilespmem:s14+$0xFFFFFEE0]  }
0x26: {  	v21 =	vld [tilespmem:s14+$0xFFFFFEF0]  }
0x27: {  	v22 =	vld [tilespmem:s14+$0xFFFFFF60]  }
0x28: {  	v23 =	vld [tilespmem:s14+$0xFFFFFF70]  }
0x29: {  	v24 =	vimm.f32 $0.0e+00;
	v25 =	vld [tilespmem:s14+$0x0]  }
0x2a: {  	v26 =	vld [tilespmem:s14+$0x10];
	v18 =	vadd.f32 v18, v24;
	v19 =	vadd.f32 v19, v24  }
0x2b: {  	v27 =	vld [tilespmem:s14+$0xFFFFFF80];
	v20 =	vadd.f32 v20, v24;
	v21 =	vadd.f32 v21, v24  }
0x2c: {  	v16 =	vadd.f32 v16, v18;
	v17 =	vadd.f32 v17, v19;
	v18 =	vld [tilespmem:s14+$0xFFFFFF90]  }
0x2d: {  	v19 =	vld [tilespmem:s14+$0xFFFFFF00];
	v20 =	vadd.f32 v22, v20;
	v21 =	vadd.f32 v23, v21  }
0x2e: {  	v22 =	vld [tilespmem:s14+$0xFFFFFF10];
	v12 =	vadd.f32 v12, v16;
	v13 =	vadd.f32 v13, v17  }
0x2f: {  	v16 =	vld [tilespmem:s14+$0xFFFFFF20];
	v14 =	vadd.f32 v14, v20;
	v15 =	vadd.f32 v15, v21  }
0x30: {  	v17 =	vld [tilespmem:s14+$0xFFFFFF30];
	v8 =	vadd.f32 v8, v12;
	v9 =	vadd.f32 v9, v13  }
0x31: {  	v20 =	vld [tilespmem:s14+$0xFFFFFFA0];
	v10 =	vadd.f32 v10, v14;
	v11 =	vadd.f32 v11, v15  }
0x32: {  	v14 =	vld [tilespmem:s14+$0xFFFFFFB0];
	v8 =	vadd.f32 v2, v8;
	v9 =	vadd.f32 v3, v9  }
0x33: {  	v12 =	vld [tilespmem:s14+$0x20];
	v10 =	vadd.f32 v6, v10;
	v11 =	vadd.f32 v7, v11  }
0x34: {  	v15 =	vld [tilespmem:s14+$0x30];
	v2 =	vadd.f32 v19, v24;
	v3 =	vadd.f32 v22, v24  }
0x35: {  	v13 =	vld [tilespmem:s14+$0xA0];
	v6 =	vadd.f32 v16, v24;
	v7 =	vadd.f32 v17, v24  }
0x36: {  	v16 =	vld [tilespmem:s14+$0xB0];
	v2 =	vadd.f32 v27, v2;
	v3 =	vadd.f32 v18, v3  }
0x37: {  	v17 =	vld [tilespmem:s14+$0x130];
	v18 =	vadd.f32 v20, v6;
	v19 =	vadd.f32 v14, v7  }
0x38: {  	s13 =	simm.s32 $0x0;
	v14 =	vld [tilespmem:s14+$0x120];
	s14 =	simm.s32 $0x3C0;
	v20 =	vadd.f32 v25, v2;
	v21 =	vadd.f32 v26, v3  }
.LBB2_2:
0x39: {  	v2 =	vld [tilespmem:s14+$0xC0];
	v3 =	vadd.f32 v12, v18;
	v6 =	vadd.f32 v15, v19  }
0x3a: {  	v7 =	vld [tilespmem:s14+$0xD0];
	v4 =	vadd.f32 v4, v20;
	v5 =	vadd.f32 v5, v21  }
0x3b: {  	v15 =	vld [tilespmem:s14+$0xE0];
	v3 =	vadd.f32 v13, v3;
	v6 =	vadd.f32 v16, v6  }
0x3c: {  	v13 =	vld [tilespmem:s14+$0xF0];
	v16 =	vadd.f32 v0, v4;
	v18 =	vadd.f32 v1, v5  }
0x3d: {  	v0 =	vld [tilespmem:s14+$0x100];
	v3 =	vadd.f32 v14, v3;
	v6 =	vadd.f32 v17, v6  }
0x3e: {  	v1 =	vld [tilespmem:s14+$0x110]  }
0x3f: {  	v12 =	vld [tilespmem:s14+$0x40]  }
0x40: {  	v14 =	vld [tilespmem:s14+$0x50]  }
0x41: {  	v17 =	vld [tilespmem:s14+$0x60]  }
0x42: {  	v19 =	vld [tilespmem:s14+$0x70]  }
0x43: {  	v4 =	vld [tilespmem:s14+$0x80]  }
0x44: {  	v5 =	vld [tilespmem:s14+$0x90]  }
0x45: {  	v20 =	vld [tilespmem:s14+$0xFFFFFFC0]  }
0x46: {  	v21 =	vld [tilespmem:s14+$0xFFFFFFD0]  }
0x47: {  	v22 =	vld [tilespmem:s14+$0xFFFFFFE0]  }
0x48: {  	v23 =	vld [tilespmem:s14+$0xFFFFFFF0]  }
0x49: {  	v24 =	vld [tilespmem:s14+$0xFFFFFF40]  }
0x4a: {  	v25 =	vld [tilespmem:s14+$0xFFFFFF50]  }
0x4b: {  	v26 =	vld [tilespmem:s14+$0xFFFFFEC0]  }
0x4c: {  	v27 =	vld [tilespmem:s14+$0xFFFFFED0]  }
0x4d: {  	v28 =	vld [tilespmem:s14+$0xFFFFFEE0]  }
0x4e: {  	v29 =	vld [tilespmem:s14+$0xFFFFFEF0]  }
0x4f: {  	v30 =	vld [tilespmem:s14+$0xFFFFFF60]  }
0x50: {  	v31 =	vld [tilespmem:s14+$0xFFFFFF70]  }
0x51: {  	v32 =	vld [tilespmem:s14+$0x0]  }
0x52: {  	v8 =	vadd.f32 v26, v8;
	v9 =	vadd.f32 v27, v9;
	v26 =	vld [tilespmem:s14+$0x10]  }
0x53: {  	v10 =	vadd.f32 v28, v10;
	v11 =	vadd.f32 v29, v11;
	v27 =	vld [tilespmem:s14+$0xFFFFFF80]  }
0x54: {  	v8 =	vadd.f32 v24, v8;
	v9 =	vadd.f32 v25, v9;
	v24 =	vld [tilespmem:s14+$0xFFFFFF90]  }
0x55: {  	v10 =	vadd.f32 v30, v10;
	v25 =	vld [tilespmem:s14+$0xFFFFFF00];
	v11 =	vadd.f32 v31, v11  }
0x56: {  	v8 =	vadd.f32 v20, v8;
	v9 =	vadd.f32 v21, v9;
	v28 =	vld [tilespmem:s14+$0xFFFFFF10]  }
0x57: {  	v10 =	vadd.f32 v22, v10;
	v20 =	vld [tilespmem:s14+$0xFFFFFF20];
	v11 =	vadd.f32 v23, v11  }
0x58: {  	s13 =	sadd.s32 $0x5, s13;
	v8 =	vadd.f32 v12, v8;
	v9 =	vadd.f32 v14, v9;
	v21 =	vld [tilespmem:s14+$0xFFFFFF30]  }
0x59: {  	p0 =	slt.u32 s13, $0xC3;
	v10 =	vadd.f32 v17, v10;
	v14 =	vld [tilespmem:s14+$0xFFFFFFA0];
	v11 =	vadd.f32 v19, v11  }
0x5a: {  	v8 =	vadd.f32 v2, v8;
	v9 =	vadd.f32 v7, v9;
	v17 =	vld [tilespmem:s14+$0xFFFFFFB0]  }
0x5b: {  	v10 =	vadd.f32 v15, v10;
	v12 =	vld [tilespmem:s14+$0x20];
	v11 =	vadd.f32 v13, v11  }
.Ltmp0:
0x5c: {  	v2 =	vadd.f32 v25, v16;
	v7 =	vadd.f32 v28, v18;
	v15 =	vld [tilespmem:s14+$0x30];
	(pc) =	sbr.rel @p0 .LBB2_2-.Ltmp0, $4  }
0x5d: {  	v3 =	vadd.f32 v20, v3;
	v6 =	vadd.f32 v21, v6;
	v13 =	vld [tilespmem:s14+$0xA0]  }
0x5e: {  	v2 =	vadd.f32 v27, v2;
	v7 =	vadd.f32 v24, v7;
	v16 =	vld [tilespmem:s14+$0xB0]  }
0x5f: {  	v18 =	vadd.f32 v14, v3;
	v19 =	vadd.f32 v17, v6;
	v14 =	vld [tilespmem:s14+$0x120]  }
0x60: {  	v20 =	vadd.f32 v32, v2;
	v21 =	vadd.f32 v26, v7;
	v17 =	vld [tilespmem:s14+$0x130];
	s14 =	sadd.s32 $0x280, s14  }
0x61: {  	_ =	swait.ge [sflag:s9], $0x6400  }
0x62: {  	[sflag:s9] =	ssyncset.done $0x0  }
0x63: {  	s14 =	simm.s32 $0x6540;
	[sflag:s9] =	ssyncadd.s32 $0xFFFF9C00  }
0x64: {  	v22 =	vld [tilespmem:s14+$0xC0]  }
0x65: {  	v23 =	vld [tilespmem:s14+$0xD0]  }
0x66: {  	v24 =	vld [tilespmem:s14+$0xE0]  }
0x67: {  	v25 =	vld [tilespmem:s14+$0xF0]  }
0x68: {  	v2 =	vld [tilespmem:s14+$0x100]  }
0x69: {  	v3 =	vld [tilespmem:s14+$0x110]  }
0x6a: {  	v26 =	vld [tilespmem:s14+$0x40]  }
0x6b: {  	v27 =	vld [tilespmem:s14+$0x50]  }
0x6c: {  	v28 =	vld [tilespmem:s14+$0x60]  }
0x6d: {  	v29 =	vld [tilespmem:s14+$0x70]  }
0x6e: {  	v7 =	vld [tilespmem:s14+$0x80]  }
0x6f: {  	v6 =	vld [tilespmem:s14+$0x90]  }
0x70: {  	v30 =	vld [tilespmem:s14+$0xFFFFFFC0]  }
0x71: {  	v31 =	vld [tilespmem:s14+$0xFFFFFFD0]  }
0x72: {  	v32 =	vld [tilespmem:s14+$0xFFFFFFE0]  }
0x73: {  	v33 =	vld [tilespmem:s14+$0xFFFFFFF0]  }
0x74: {  	v34 =	vld [tilespmem:s14+$0xFFFFFF40]  }
0x75: {  	v35 =	vld [tilespmem:s14+$0xFFFFFF50]  }
0x76: {  	v36 =	vld [tilespmem:s14+$0xFFFFFEC0]  }
0x77: {  	v37 =	vld [tilespmem:s14+$0xFFFFFED0]  }
0x78: {  	v12 =	vadd.f32 v12, v18;
	v15 =	vadd.f32 v15, v19;
	v18 =	vld [tilespmem:s14+$0xFFFFFEE0]  }
0x79: {  	v4 =	vadd.f32 v4, v20;
	v5 =	vadd.f32 v5, v21;
	v19 =	vld [tilespmem:s14+$0xFFFFFEF0]  }
0x7a: {  	v12 =	vadd.f32 v13, v12;
	v13 =	vadd.f32 v16, v15;
	v15 =	vld [tilespmem:s14+$0xFFFFFF60]  }
0x7b: {  	v16 =	vadd.f32 v0, v4;
	v60 =	vadd.f32 v1, v5;
	v0 =	vld [tilespmem:s14+$0xFFFFFF70]  }
0x7c: {  	v61 =	vld [tilespmem:s14+$0x10];
	v12 =	vadd.f32 v14, v12;
	v13 =	vadd.f32 v17, v13  }
0x7d: {  	v1 =	vadd.f32 v36, v8;
	v4 =	vadd.f32 v37, v9;
	v9 =	vld [tilespmem:s14+$0xFFFFFF00]  }
0x7e: {  	v5 =	vadd.f32 v18, v10;
	v8 =	vadd.f32 v19, v11;
	v11 =	vld [tilespmem:s14+$0xFFFFFF10]  }
0x7f: {  	v18 =	vld [tilespmem:s14+$0xFFFFFF30];
	v1 =	vadd.f32 v34, v1;
	v4 =	vadd.f32 v35, v4  }
0x80: {  	v14 =	vld [tilespmem:s14+$0xFFFFFF90];
	v5 =	vadd.f32 v15, v5;
	v0 =	vadd.f32 v0, v8  }
0x81: {  	v15 =	vld [tilespmem:s14+$0xFFFFFF20];
	v1 =	vadd.f32 v30, v1;
	v4 =	vadd.f32 v31, v4  }
0x82: {  	v10 =	vld [tilespmem:s14+$0xFFFFFF80];
	v5 =	vadd.f32 v32, v5;
	v0 =	vadd.f32 v33, v0  }
0x83: {  	v63 =	vld [tilespmem:s14+$0xFFFFFFB0];
	v16 =	vadd.f32 v9, v16;
	v20 =	vadd.f32 v11, v60  }
0x84: {  	v17 =	vld [tilespmem:s14+$0x0];
	v13 =	vadd.f32 v18, v13;
	v1 =	vadd.f32 v26, v1  }
0x85: {  	v19 =	vld [tilespmem:s14+$0xFFFFFFA0];
	v4 =	vadd.f32 v27, v4;
	v62 =	vadd.f32 v28, v5  }
0x86: {  	v8 =	vld [tilespmem:s14+$0x20];
	v0 =	vadd.f32 v29, v0;
	v15 =	vadd.f32 v15, v12  }
0x87: {  	v11 =	vld [tilespmem:s14+$0x30];
	v16 =	vadd.f32 v10, v16;
	v18 =	vadd.f32 v14, v20  }
0x88: {  	v9 =	vld [tilespmem:s14+$0xA0];
	v14 =	vadd.f32 v63, v13;
	v5 =	vadd.f32 v22, v1  }
0x89: {  	v12 =	vld [tilespmem:s14+$0xB0];
	v4 =	vadd.f32 v23, v4;
	v1 =	vadd.f32 v24, v62  }
0x8a: {  	v10 =	vld [tilespmem:s14+$0x120];
	v0 =	vadd.f32 v25, v0;
	v15 =	vadd.f32 v19, v15  }
0x8b: {  	s13 =	simm.s32 $0x0;
	v13 =	vld [tilespmem:s14+$0x130];
	s14 =	simm.s32 $0x67C0;
	v17 =	vadd.f32 v17, v16;
	v16 =	vadd.f32 v61, v18  }
.LBB2_4:
0x8c: {  	v18 =	vld [tilespmem:s14+$0xC0];
	v8 =	vadd.f32 v8, v15;
	v11 =	vadd.f32 v11, v14  }
0x8d: {  	v14 =	vld [tilespmem:s14+$0xD0];
	v7 =	vadd.f32 v7, v17;
	v6 =	vadd.f32 v6, v16  }
0x8e: {  	v15 =	vld [tilespmem:s14+$0xE0];
	v8 =	vadd.f32 v9, v8;
	v9 =	vadd.f32 v12, v11  }
0x8f: {  	v11 =	vld [tilespmem:s14+$0xF0];
	v12 =	vadd.f32 v2, v7;
	v16 =	vadd.f32 v3, v6  }
0x90: {  	v2 =	vld [tilespmem:s14+$0x100];
	v10 =	vadd.f32 v10, v8;
	v9 =	vadd.f32 v13, v9  }
0x91: {  	v3 =	vld [tilespmem:s14+$0x110]  }
0x92: {  	v8 =	vld [tilespmem:s14+$0x40]  }
0x93: {  	v13 =	vld [tilespmem:s14+$0x50]  }
0x94: {  	v17 =	vld [tilespmem:s14+$0x60]  }
0x95: {  	v19 =	vld [tilespmem:s14+$0x70]  }
0x96: {  	v7 =	vld [tilespmem:s14+$0x80]  }
0x97: {  	v6 =	vld [tilespmem:s14+$0x90]  }
0x98: {  	v20 =	vld [tilespmem:s14+$0xFFFFFFC0]  }
0x99: {  	v21 =	vld [tilespmem:s14+$0xFFFFFFD0]  }
0x9a: {  	v22 =	vld [tilespmem:s14+$0xFFFFFFE0]  }
0x9b: {  	v23 =	vld [tilespmem:s14+$0xFFFFFFF0]  }
0x9c: {  	v24 =	vld [tilespmem:s14+$0xFFFFFF40]  }
0x9d: {  	v25 =	vld [tilespmem:s14+$0xFFFFFF50]  }
0x9e: {  	v26 =	vld [tilespmem:s14+$0xFFFFFEC0]  }
0x9f: {  	v27 =	vld [tilespmem:s14+$0xFFFFFED0]  }
0xa0: {  	v28 =	vld [tilespmem:s14+$0xFFFFFEE0]  }
0xa1: {  	v29 =	vld [tilespmem:s14+$0xFFFFFEF0]  }
0xa2: {  	v30 =	vld [tilespmem:s14+$0xFFFFFF60]  }
0xa3: {  	v31 =	vld [tilespmem:s14+$0xFFFFFF70]  }
0xa4: {  	v32 =	vld [tilespmem:s14+$0x0]  }
0xa5: {  	v5 =	vadd.f32 v26, v5;
	v4 =	vadd.f32 v27, v4;
	v26 =	vld [tilespmem:s14+$0x10]  }
0xa6: {  	v1 =	vadd.f32 v28, v1;
	v0 =	vadd.f32 v29, v0;
	v27 =	vld [tilespmem:s14+$0xFFFFFF80]  }
0xa7: {  	v5 =	vadd.f32 v24, v5;
	v4 =	vadd.f32 v25, v4;
	v24 =	vld [tilespmem:s14+$0xFFFFFF90]  }
0xa8: {  	v1 =	vadd.f32 v30, v1;
	v25 =	vld [tilespmem:s14+$0xFFFFFF00];
	v0 =	vadd.f32 v31, v0  }
0xa9: {  	v5 =	vadd.f32 v20, v5;
	v4 =	vadd.f32 v21, v4;
	v28 =	vld [tilespmem:s14+$0xFFFFFF10]  }
0xaa: {  	v1 =	vadd.f32 v22, v1;
	v20 =	vld [tilespmem:s14+$0xFFFFFF20];
	v0 =	vadd.f32 v23, v0  }
0xab: {  	s13 =	sadd.s32 $0x5, s13;
	v5 =	vadd.f32 v8, v5;
	v4 =	vadd.f32 v13, v4;
	v21 =	vld [tilespmem:s14+$0xFFFFFF30]  }
0xac: {  	p0 =	slt.u32 s13, $0xC3;
	v1 =	vadd.f32 v17, v1;
	v13 =	vld [tilespmem:s14+$0xFFFFFFA0];
	v0 =	vadd.f32 v19, v0  }
0xad: {  	v5 =	vadd.f32 v18, v5;
	v4 =	vadd.f32 v14, v4;
	v17 =	vld [tilespmem:s14+$0xFFFFFFB0]  }
0xae: {  	v1 =	vadd.f32 v15, v1;
	v8 =	vld [tilespmem:s14+$0x20];
	v0 =	vadd.f32 v11, v0  }
.Ltmp1:
0xaf: {  	v12 =	vadd.f32 v25, v12;
	v14 =	vadd.f32 v28, v16;
	v11 =	vld [tilespmem:s14+$0x30];
	(pc) =	sbr.rel @p0 .LBB2_4-.Ltmp1, $4  }
0xb0: {  	v10 =	vadd.f32 v20, v10;
	v16 =	vadd.f32 v21, v9;
	v9 =	vld [tilespmem:s14+$0xA0]  }
0xb1: {  	v18 =	vadd.f32 v27, v12;
	v19 =	vadd.f32 v24, v14;
	v12 =	vld [tilespmem:s14+$0xB0]  }
0xb2: {  	v15 =	vadd.f32 v13, v10;
	v14 =	vadd.f32 v17, v16;
	v10 =	vld [tilespmem:s14+$0x120]  }
0xb3: {  	v17 =	vadd.f32 v32, v18;
	v16 =	vadd.f32 v26, v19;
	v13 =	vld [tilespmem:s14+$0x130];
	s14 =	sadd.s32 $0x280, s14  }
0xb4: {  	_ = 	snop  }
0xb5: {  	v8 =	vadd.f32 v8, v15;
	[tilespmem:$0xC800] =	vst v5;
	v7 =	vadd.f32 v7, v17  }
0xb6: {  	v60 =	vadd.f32 v11, v14;
	[tilespmem:$0xC810] =	vst v4;
	v6 =	vadd.f32 v6, v16  }
0xb7: {  	[tilespmem:$0xC820] =	vst v1;
	v61 =	vadd.f32 v9, v8;
	v2 =	vadd.f32 v2, v7  }
0xb8: {  	[tilespmem:$0xC830] =	vst v0;
	v62 =	vadd.f32 v12, v60;
	v3 =	vadd.f32 v3, v6  }
0xb9: {  	v63 =	vadd.f32 v10, v61;
	[tilespmem:$0xC840] =	vst v2  }
0xba: {  	s12 =	sadd.s32 $0x1, s12;
	v1 =	vadd.f32 v13, v62;
	[tilespmem:$0xC850] =	vst v3  }
0xbb: {  	p0 =	sne.s32 s12, s6;
	[tilespmem:$0xC860] =	vst v63  }
.Ltmp2:
0xbc: {  	[tilespmem:$0xC870] =	vst v1;
	(pc) =	sbr.rel @p0 .LBB2_1-.Ltmp2, $4  }
0xbd: {  	[hbm4b:s5+s2] =	stream.linear.scatter [tilespmem:s10], [sflag:$0x3], $0x80, $0x38;
	[tilespmem:$0xC880] =	vst v63  }
0xbe: {  	_ =	swait.ge [sflag:s11], $0x80  }
0xbf: {  	[sflag:s11] =	ssyncset.done $0x0  }
0xc0: {  	[sflag:s11] =	ssyncadd.s32 $0xFFFFFF80  }
0xc1: {  	_ =	sfence.sel $0x180000  }
0xc2: {  	[bflag:$0x0] =	sbarrier.arrive $0xFFFF  }
0xc3: {  	p0 =	sne.s32 s0, $0x0;
	_ =	strace $0x90000047  }
0xc4: {  	s0 =	sadd.s32 @!p0 $0x100000, s1;
	[bflag:$0x2] =	sbarrier.arrive $0xFFFF  }
0xc5: {  	[sflag:s0] =	ssyncadd.tile.s32 @!p0 $0x1;
	_ =	shalt  }
.Lfunc_end2:
_tile_overlayer_lowered:
.L_overlay_start_2:
0xc6: {  	(tag) =	ssettag $0x2  }
0xc7: {  	s0 =	rddreg [dreg:$0x0];
	s2 =	stileid.u32  }
0xc8: {  	s1 =	rddreg [dreg:$0x1];
	p0 =	sne.s32 s2, $0x0  }
0xc9: {  	s3 =	rddreg [dreg:$0x2];
	[bflag:$0x3] =	sbarrier.arrive $0xFFFF;
	s2 =	simm.s32 @!p0 $0x1C03  }
0xca: {  	[timem:s3], [sflag:s2] =	dma.local @!p0 [hbm:s0], s1  }
0xcb: {  	s0 =	simm.s32 @!p0 $0x3  }
0xcc: {  	_ =	swait.ge @!p0 [sflag:s0], s1  }
0xcd: {  	s1 =	ssub.s32 @!p0 $0x0, s1;
	[sflag:s0] =	ssyncset.done @!p0 $0x0  }
0xce: {  	[sflag:s0] =	ssyncadd.s32 @!p0 s1  }
0xcf: {  	[bflag:$0x3] =	sbarrier.arrive $0xFFFF  }
0xd0: {  	_ =	shalt  }

</sc_bundles>
